<compile_context>
chip_gen: v7x
topology: tpu7x:2x2x1
jax: 0.10.2.dev20260603
libtpu: 0.0.44.dev20260713+nightly
codegen_flags: <defaults>
</compile_context>

<pallas_src>
import functools

import jax
import jax.numpy as jnp
from jax import lax
from jax.experimental import pallas as pl
from jax.experimental.pallas import tpu as pltpu
from jax.experimental.pallas import tpu_sc as plsc

N_NODES = 10000
D = 128
NC = 2
NS = 16
NW = NC * NS
CHUNK = 120
N_CHUNKS = 84
E_PER_W = N_CHUNKS * CHUNK
E_PAD = NW * E_PER_W
DCHUNK = 112
DN_CHUNKS = E_PER_W // DCHUNK
N_PAD = 10240
ROWS_PER_TILE = N_PAD // NS
STAGE = 16
DEG_W = 16


def _make_agg():
  mesh = plsc.VectorSubcoreMesh(core_axis_name="c", subcore_axis_name="s")
  scratch = [
      pltpu.VMEM_SHARED((N_PAD, D), jnp.float32),
      pltpu.VMEM((CHUNK,), jnp.int32),
      pltpu.VMEM((CHUNK,), jnp.int32),
      pltpu.VMEM((CHUNK,), jnp.int32),
      pltpu.VMEM((CHUNK,), jnp.int32),
      pltpu.VMEM((CHUNK, D), jnp.float32),
      pltpu.VMEM((CHUNK, D), jnp.float32),
      pltpu.VMEM((STAGE, D), jnp.float32),
      pltpu.SemaphoreType.DMA,
      pltpu.SemaphoreType.DMA,
      pltpu.SemaphoreType.DMA,
      pltpu.SemaphoreType.DMA,
  ]

  def body(feats, src, dst, zrows, acc_out, acc, src0, dst0, src1, dst1,
           rows0, rows1, stage, gsem0, gsem1, ssem0, ssem1):
    cid = lax.axis_index("c")
    sid = lax.axis_index("s")
    wid = sid * NC + cid
    r0 = sid * ROWS_PER_TILE

    pltpu.sync_copy(zrows, stage)

    def zc(i, _):
      pltpu.sync_copy(stage, acc.at[pl.ds(r0 + i * STAGE, STAGE)])
      return 0
    lax.fori_loop(0, ROWS_PER_TILE // STAGE, zc, 0)

    plsc.subcore_barrier()

    base = wid * E_PER_W
    slots = ((src0, dst0, rows0, gsem0, ssem0),
             (src1, dst1, rows1, gsem1, ssem1))

    pltpu.sync_copy(src.at[pl.ds(base, CHUNK)], src0)
    pltpu.sync_copy(dst.at[pl.ds(base, CHUNK)], dst0)
    pltpu.async_copy(feats.at[src0], rows0, gsem0)

    def chunk_step(c, k):
      src_s, dst_s, rows_s, gsem_s, ssem_s = slots[k]
      src_t, dst_t, rows_t, gsem_t, ssem_t = slots[1 - k]
      pltpu.make_async_copy(feats.at[src_s], rows_s, gsem_s).wait()
      @pl.when(c > 0)
      def _():
        pltpu.make_async_copy(rows_t, acc.at[dst_t], ssem_t).wait()
      cn = jnp.minimum(c + 1, N_CHUNKS - 1)
      offn = base + cn * CHUNK
      pltpu.sync_copy(src.at[pl.ds(offn, CHUNK)], src_t)
      pltpu.sync_copy(dst.at[pl.ds(offn, CHUNK)], dst_t)
      pltpu.async_copy(feats.at[src_t], rows_t, gsem_t)
      pltpu.async_copy(rows_s, acc.at[dst_s], ssem_s, add=True)

    def pair(g, _):
      chunk_step(2 * g, 0)
      chunk_step(2 * g + 1, 1)
      return 0
    lax.fori_loop(0, N_CHUNKS // 2, pair, 0)

    pltpu.make_async_copy(feats.at[src0], rows0, gsem0).wait()
    pltpu.make_async_copy(rows1, acc.at[dst1], ssem1).wait()

    plsc.subcore_barrier()

    def oc(i, _):
      pltpu.sync_copy(acc.at[pl.ds(r0 + i * STAGE, STAGE)], stage)
      pltpu.sync_copy(stage, acc_out.at[cid, pl.ds(r0 + i * STAGE, STAGE)])
      return 0
    lax.fori_loop(0, ROWS_PER_TILE // STAGE, oc, 0)

  return pl.kernel(
      body,
      out_type=jax.ShapeDtypeStruct((NC, N_PAD, D), jnp.float32),
      mesh=mesh,
      scratch_types=scratch,
  )


def _make_deg():
  mesh = plsc.VectorSubcoreMesh(core_axis_name="c", subcore_axis_name="s")
  scratch = [
      pltpu.VMEM_SHARED((N_PAD, D), jnp.float32),
      pltpu.VMEM((DCHUNK,), jnp.int32),
      pltpu.VMEM((DCHUNK,), jnp.int32),
      pltpu.VMEM((DCHUNK, D), jnp.float32),
      pltpu.VMEM((STAGE, D), jnp.float32),
      pltpu.SemaphoreType.DMA,
      pltpu.SemaphoreType.DMA,
      pltpu.SemaphoreType.DMA,
      pltpu.SemaphoreType.DMA,
  ]

  def body(dst, zrows, ones, deg_out, dacc, dst_v0, dst_v1, ones_v, dstage,
           isem0, isem1, ssem0, ssem1):
    cid = lax.axis_index("c")
    sid = lax.axis_index("s")
    wid = sid * NC + cid
    r0 = sid * ROWS_PER_TILE

    pltpu.sync_copy(zrows, dstage)

    def zd(i, _):
      pltpu.sync_copy(dstage, dacc.at[pl.ds(r0 + i * STAGE, STAGE)])
      return 0
    lax.fori_loop(0, ROWS_PER_TILE // STAGE, zd, 0)

    pltpu.sync_copy(ones, ones_v)

    plsc.subcore_barrier()

    base = wid * E_PER_W
    slots = ((dst_v0, isem0, ssem0), (dst_v1, isem1, ssem1))
    dlast = DN_CHUNKS - 1

    pltpu.async_copy(dst.at[pl.ds(base, DCHUNK)], dst_v0, isem0)

    def dstep(c, k):
      dst_s, isem_s, ssem_s = slots[k]
      dst_t, isem_t, ssem_t = slots[1 - k]
      pltpu.make_async_copy(dst.at[pl.ds(0, DCHUNK)], dst_s, isem_s).wait()
      @pl.when(c > 0)
      def _():
        pltpu.make_async_copy(ones_v, dacc.at[dst_t], ssem_t).wait()
      offn = base + jnp.minimum(c + 1, dlast) * DCHUNK
      pltpu.async_copy(dst.at[pl.ds(offn, DCHUNK)], dst_t, isem_t)
      pltpu.async_copy(ones_v, dacc.at[dst_s], ssem_s, add=True)

    def dpair(g, _):
      dstep(2 * g, 0)
      dstep(2 * g + 1, 1)
      return 0
    lax.fori_loop(0, DN_CHUNKS // 2, dpair, 0)

    pltpu.make_async_copy(dst.at[pl.ds(0, DCHUNK)], dst_v0, isem0).wait()
    pltpu.make_async_copy(ones_v, dacc.at[dst_v1], ssem1).wait()

    plsc.subcore_barrier()

    def od(i, _):
      pltpu.sync_copy(dacc.at[pl.ds(r0 + i * STAGE, STAGE)], dstage)
      pltpu.sync_copy(dstage, deg_out.at[cid, pl.ds(r0 + i * STAGE, STAGE)])
      return 0
    lax.fori_loop(0, ROWS_PER_TILE // STAGE, od, 0)

  return pl.kernel(
      body,
      out_type=jax.ShapeDtypeStruct((NC, N_PAD, D), jnp.float32),
      mesh=mesh,
      scratch_types=scratch,
  )


_agg = _make_agg()
_deg = _make_deg()

_TC_ROWS = 2000


def _make_combine(relu: bool):
  def body(x_ref, sa_ref, sb_ref, da_ref, db_ref, ws_ref, wn_ref, b_ref, o_ref):
    deg = jnp.maximum(da_ref[:, 0:1] + db_ref[:, 0:1], 1.0)
    hn = (sa_ref[...] + sb_ref[...]) / deg
    out = (
        jnp.dot(x_ref[...], ws_ref[...], preferred_element_type=jnp.float32,
                precision=lax.Precision.HIGHEST)
        + jnp.dot(hn, wn_ref[...], preferred_element_type=jnp.float32,
                  precision=lax.Precision.HIGHEST)
        + b_ref[...]
    )
    if relu:
      out = jnp.maximum(out, 0.0)
    o_ref[...] = out

  return pl.pallas_call(
      body,
      grid=(N_NODES // _TC_ROWS,),
      in_specs=[
          pl.BlockSpec((_TC_ROWS, D), lambda i: (i, 0)),
          pl.BlockSpec((_TC_ROWS, D), lambda i: (i, 0)),
          pl.BlockSpec((_TC_ROWS, D), lambda i: (i, 0)),
          pl.BlockSpec((_TC_ROWS, D), lambda i: (i, 0)),
          pl.BlockSpec((_TC_ROWS, D), lambda i: (i, 0)),
          pl.BlockSpec((D, D), lambda i: (0, 0)),
          pl.BlockSpec((D, D), lambda i: (0, 0)),
          pl.BlockSpec((1, D), lambda i: (0, 0)),
      ],
      out_specs=pl.BlockSpec((_TC_ROWS, D), lambda i: (i, 0)),
      out_shape=jax.ShapeDtypeStruct((N_NODES, D), jnp.float32),
  )


_combine_relu = _make_combine(True)
_combine_lin = _make_combine(False)


def kernel(x, edge_index, W1_self, W1_neigh, b1, W2_self, W2_neigh, b2):
  src = edge_index[0].astype(jnp.int32)
  dst = edge_index[1].astype(jnp.int32)
  n_edges = src.shape[0]
  pad = E_PAD - n_edges
  src_p = jnp.concatenate([src, jnp.zeros((pad,), jnp.int32)])
  dummy = N_NODES + 1 + (jnp.arange(pad, dtype=jnp.int32) % (N_PAD - N_NODES - 1))
  dst_p = jnp.concatenate([dst, dummy])

  zrows = jnp.zeros((STAGE, D), jnp.float32)
  ones = jnp.ones((DCHUNK, D), jnp.float32)
  degs = _deg(dst_p, zrows, ones)
  acc1 = _agg(x, src_p, dst_p, zrows)
  da = degs[0, :N_NODES]
  db = degs[1, :N_NODES]
  h = _combine_relu(x, acc1[0, :N_NODES], acc1[1, :N_NODES], da, db,
                    W1_self, W1_neigh, b1.reshape(1, D))
  acc2 = _agg(h, src_p, dst_p, zrows)
  out = _combine_lin(h, acc2[0, :N_NODES], acc2[1, :N_NODES], da, db,
                     W2_self, W2_neigh, b2.reshape(1, D))
  return out

# --- scband reference (transcript-rebuilt; emitter-appended) ---
"""Pipeline reference for scband-two-layer-graph-sage-20710332301832 (READ-ONLY COPY).

The authoritative reference and input builder live on the scoring server;
editing this copy changes nothing except your own understanding.
"""

import jax, jax.numpy as jnp
import numpy as np

N_NODES = 10000
N_EDGES = 320000
D_IN = 128
D_HID = 128
D_OUT = 128


def setup_inputs(seed: int = 0) -> dict:
    key = jax.random.key(seed)
    ks = jax.random.split(key, 9)
    x = jax.random.normal(ks[0], (N_NODES, D_IN), dtype=jnp.float32)
    edge_index = jax.random.randint(ks[1], (2, N_EDGES), 0, N_NODES, dtype=jnp.int64)
    s1 = 1.0 / np.sqrt(D_IN)
    s2 = 1.0 / np.sqrt(D_HID)
    W1_self = jax.random.normal(ks[2], (D_IN, D_HID), dtype=jnp.float32) * s1
    W1_neigh = jax.random.normal(ks[3], (D_IN, D_HID), dtype=jnp.float32) * s1
    b1 = jnp.zeros((D_HID,), dtype=jnp.float32)
    W2_self = jax.random.normal(ks[4], (D_HID, D_OUT), dtype=jnp.float32) * s2
    W2_neigh = jax.random.normal(ks[5], (D_HID, D_OUT), dtype=jnp.float32) * s2
    b2 = jnp.zeros((D_OUT,), dtype=jnp.float32)
    return {"x": x, "edge_index": edge_index,
            "W1_self": W1_self, "W1_neigh": W1_neigh, "b1": b1,
            "W2_self": W2_self, "W2_neigh": W2_neigh, "b2": b2}


def _sage_conv(x, src, dst, W_self, W_neigh, b, n_nodes):
    # DGL SAGEConv with 'mean' aggregator: h = x @ W_self + mean_{u in N(v)} x_u @ W_neigh + b
    msg = jnp.take(x, src, axis=0)
    summed = jax.ops.segment_sum(msg, dst, num_segments=n_nodes)
    deg = jax.ops.segment_sum(jnp.ones((src.shape[0],), dtype=x.dtype), dst, num_segments=n_nodes)
    h_neigh = summed / jnp.maximum(deg, 1.0)[:, None]
    return x @ W_self + h_neigh @ W_neigh + b


def reference(x, edge_index, W1_self, W1_neigh, b1, W2_self, W2_neigh, b2):
    src = edge_index[0]
    dst = edge_index[1]
    h = _sage_conv(x, src, dst, W1_self, W1_neigh, b1, N_NODES)
    h = jax.nn.relu(h)
    # dropout p=0.0 -> identity
    out = _sage_conv(h, src, dst, W2_self, W2_neigh, b2, N_NODES)
    # is_out_layer=True -> no activation on output
    return out

if __name__ == "__main__":
    import jax
    _d = setup_inputs()
    print(jax.jit(kernel)(*tuple(_d.values())))

</pallas_src>

<mosaic_0001>
#map = affine_map<(d0, d1) -> (0, 0)>
#map1 = affine_map<(d0, d1) -> (0)>
#map2 = affine_map<(d0, d1) -> (0, 0, 0)>
module attributes {stable_mosaic.version = 14 : i64} {
  func.func @body(%arg0: i32, %arg1: i32, %arg2: memref<10000x128xf32, #tpu.memory_space<hbm>>, %arg3: memref<322560xi32, #tpu.memory_space<hbm>>, %arg4: memref<322560xi32, #tpu.memory_space<hbm>>, %arg5: memref<16x128xf32, #tpu.memory_space<hbm>>, %arg6: memref<2x10240x128xf32, #tpu.memory_space<hbm>>, %arg7: memref<10240x128xf32, #tpu.memory_space<vmem_shared>>, %arg8: memref<120xi32, #tpu.memory_space<vmem>>, %arg9: memref<120xi32, #tpu.memory_space<vmem>>, %arg10: memref<120xi32, #tpu.memory_space<vmem>>, %arg11: memref<120xi32, #tpu.memory_space<vmem>>, %arg12: memref<120x128xf32, #tpu.memory_space<vmem>>, %arg13: memref<120x128xf32, #tpu.memory_space<vmem>>, %arg14: memref<16x128xf32, #tpu.memory_space<vmem>>, %arg15: memref<!tpu.dma_semaphore, #tpu.memory_space<semaphore_mem>>, %arg16: memref<!tpu.dma_semaphore, #tpu.memory_space<semaphore_mem>>, %arg17: memref<!tpu.dma_semaphore, #tpu.memory_space<semaphore_mem>>, %arg18: memref<!tpu.dma_semaphore, #tpu.memory_space<semaphore_mem>>) attributes {dimension_semantics = [#tpu.dimension_semantics<core_parallel>, #tpu.dimension_semantics<subcore_parallel>], iteration_bounds = array<i64: 2, 16>, scalar_prefetch = 0 : i64, scratch_operands = 12 : i64, tpu.core_type = #tpu.core_type<sc_vector_subcore>, window_params = [{transform_indices = #map}, {transform_indices = #map1}, {transform_indices = #map1}, {transform_indices = #map}, {transform_indices = #map2}]} {
    %mul3A = arith.constant 2 : i32
    %mul3A_0 = arith.muli %arg1, %mul3A : i32
    %add3A = arith.addi %mul3A_0, %arg0 : i32
    %mul3A_1 = arith.constant 640 : i32
    %mul3A_2 = arith.muli %arg1, %mul3A_1 : i32
    "tpu.region"() ({
      %run_scoped3A = tpu.sem_alloc : memref<!tpu.dma_semaphore, #tpu.memory_space<semaphore_mem>>
      tpu.enqueue_dma source(%arg5 : memref<16x128xf32, #tpu.memory_space<hbm>>) target(%arg14 : memref<16x128xf32, #tpu.memory_space<vmem>>) target_semaphore(%run_scoped3A : memref<!tpu.dma_semaphore, #tpu.memory_space<semaphore_mem>>)
      tpu.wait_dma2 semaphore(%run_scoped3A : memref<!tpu.dma_semaphore, #tpu.memory_space<semaphore_mem>>) src(%arg5 : memref<16x128xf32, #tpu.memory_space<hbm>>) dst(%arg14 : memref<16x128xf32, #tpu.memory_space<vmem>>)
      tpu.yield
    }) : () -> ()
    %scan3A = arith.constant 0 : i32
    %scan3A_3 = arith.constant 0 : i32
    %scan3A_4 = arith.constant 40 : i32
    %scan3A_5 = arith.addi %scan3A_3, %scan3A_4 : i32
    %scan3A_6 = arith.constant 1 : i32
    %scan3A_7 = scf.for %scan3A_33 = %scan3A_3 to %scan3A_5 step %scan3A_6 iter_args(%scan3A_34 = %scan3A) -> (i32)  : i32 {
      %mul3A_35 = arith.constant 16 : i32
      %mul3A_36 = arith.muli %scan3A_33, %mul3A_35 : i32
      %add3A_37 = arith.addi %mul3A_2, %mul3A_36 : i32
      "tpu.region"() ({
        %run_scoped3A = tpu.sem_alloc : memref<!tpu.dma_semaphore, #tpu.memory_space<semaphore_mem>>
        %dma_start3A_39 = arith.constant 0 : i32
        %dma_start3A_40 = tpu.memref_slice %arg7[%add3A_37, %dma_start3A_39] : memref<10240x128xf32, #tpu.memory_space<vmem_shared>> -> memref<16x128xf32, #tpu.memory_space<vmem_shared>>
        %dma_start3A_41 = arith.constant 0 : i32
        %dma_start3A_42 = tpu.memref_slice %arg7[%add3A_37, %dma_start3A_41] : memref<10240x128xf32, #tpu.memory_space<vmem_shared>> -> memref<16x128xf32, #tpu.memory_space<vmem_shared>>
        tpu.enqueue_dma source(%arg14 : memref<16x128xf32, #tpu.memory_space<vmem>>) target(%dma_start3A_42 : memref<16x128xf32, #tpu.memory_space<vmem_shared>>) target_semaphore(%run_scoped3A : memref<!tpu.dma_semaphore, #tpu.memory_space<semaphore_mem>>)
        %dma_wait3A_43 = arith.constant 0 : i32
        %dma_wait3A_44 = tpu.memref_slice %arg7[%add3A_37, %dma_wait3A_43] : memref<10240x128xf32, #tpu.memory_space<vmem_shared>> -> memref<16x128xf32, #tpu.memory_space<vmem_shared>>
        %dma_wait3A_45 = arith.constant 0 : i32
        %dma_wait3A_46 = tpu.memref_slice %arg7[%add3A_37, %dma_wait3A_45] : memref<10240x128xf32, #tpu.memory_space<vmem_shared>> -> memref<16x128xf32, #tpu.memory_space<vmem_shared>>
        tpu.wait_dma2 semaphore(%run_scoped3A : memref<!tpu.dma_semaphore, #tpu.memory_space<semaphore_mem>>) src(%arg14 : memref<16x128xf32, #tpu.memory_space<vmem>>) dst(%dma_wait3A_46 : memref<16x128xf32, #tpu.memory_space<vmem_shared>>)
        tpu.yield
      }) : () -> ()
      %scan3A_38 = arith.constant 0 : i32
      scf.yield %scan3A_38 : i32
    }
    %scan3A_8 = arith.constant 40 : i32
    %barrier3A = arith.constant 0 : index
    tpu.barrier barrier_id(%barrier3A)
    %mul3A_9 = arith.constant 10080 : i32
    %mul3A_10 = arith.muli %add3A, %mul3A_9 : i32
    "tpu.region"() ({
      %run_scoped3A = tpu.sem_alloc : memref<!tpu.dma_semaphore, #tpu.memory_space<semaphore_mem>>
      %dma_start3A_33 = tpu.memref_slice %arg3[%mul3A_10] : memref<322560xi32, #tpu.memory_space<hbm>> -> memref<120xi32, #tpu.memory_space<hbm>>
      %dma_start3A_34 = tpu.memref_slice %arg3[%mul3A_10] : memref<322560xi32, #tpu.memory_space<hbm>> -> memref<120xi32, #tpu.memory_space<hbm>>
      tpu.enqueue_dma source(%dma_start3A_34 : memref<120xi32, #tpu.memory_space<hbm>>) target(%arg8 : memref<120xi32, #tpu.memory_space<vmem>>) target_semaphore(%run_scoped3A : memref<!tpu.dma_semaphore, #tpu.memory_space<semaphore_mem>>)
      %dma_wait3A_35 = tpu.memref_slice %arg3[%mul3A_10] : memref<322560xi32, #tpu.memory_space<hbm>> -> memref<120xi32, #tpu.memory_space<hbm>>
      %dma_wait3A_36 = tpu.memref_slice %arg3[%mul3A_10] : memref<322560xi32, #tpu.memory_space<hbm>> -> memref<120xi32, #tpu.memory_space<hbm>>
      tpu.wait_dma2 semaphore(%run_scoped3A : memref<!tpu.dma_semaphore, #tpu.memory_space<semaphore_mem>>) src(%dma_wait3A_36 : memref<120xi32, #tpu.memory_space<hbm>>) dst(%arg8 : memref<120xi32, #tpu.memory_space<vmem>>)
      tpu.yield
    }) : () -> ()
    "tpu.region"() ({
      %run_scoped3A = tpu.sem_alloc : memref<!tpu.dma_semaphore, #tpu.memory_space<semaphore_mem>>
      %dma_start3A_33 = tpu.memref_slice %arg4[%mul3A_10] : memref<322560xi32, #tpu.memory_space<hbm>> -> memref<120xi32, #tpu.memory_space<hbm>>
      %dma_start3A_34 = tpu.memref_slice %arg4[%mul3A_10] : memref<322560xi32, #tpu.memory_space<hbm>> -> memref<120xi32, #tpu.memory_space<hbm>>
      tpu.enqueue_dma source(%dma_start3A_34 : memref<120xi32, #tpu.memory_space<hbm>>) target(%arg9 : memref<120xi32, #tpu.memory_space<vmem>>) target_semaphore(%run_scoped3A : memref<!tpu.dma_semaphore, #tpu.memory_space<semaphore_mem>>)
      %dma_wait3A_35 = tpu.memref_slice %arg4[%mul3A_10] : memref<322560xi32, #tpu.memory_space<hbm>> -> memref<120xi32, #tpu.memory_space<hbm>>
      %dma_wait3A_36 = tpu.memref_slice %arg4[%mul3A_10] : memref<322560xi32, #tpu.memory_space<hbm>> -> memref<120xi32, #tpu.memory_space<hbm>>
      tpu.wait_dma2 semaphore(%run_scoped3A : memref<!tpu.dma_semaphore, #tpu.memory_space<semaphore_mem>>) src(%dma_wait3A_36 : memref<120xi32, #tpu.memory_space<hbm>>) dst(%arg9 : memref<120xi32, #tpu.memory_space<vmem>>)
      tpu.yield
    }) : () -> ()
    %dma_start3A = arith.constant 0 : i32
    %dma_start3A_11 = arith.constant 0 : i32
    %dma_start3A_12 = tpu.memref_slice %arg2[%dma_start3A, %dma_start3A_11] : memref<10000x128xf32, #tpu.memory_space<hbm>> -> memref<10000x128xf32, #tpu.memory_space<hbm>>
    tpu.enqueue_indirect_dma source(%dma_start3A_12 : memref<10000x128xf32, #tpu.memory_space<hbm>>) target(%arg12 : memref<120x128xf32, #tpu.memory_space<vmem>>) offsets(%arg8 : memref<120xi32, #tpu.memory_space<vmem>>) semaphore(%arg15 : memref<!tpu.dma_semaphore, #tpu.memory_space<semaphore_mem>>)
    %scan3A_13 = arith.constant 0 : i32
    %scan3A_14 = arith.constant 0 : i32
    %scan3A_15 = arith.constant 42 : i32
    %scan3A_16 = arith.addi %scan3A_14, %scan3A_15 : i32
    %scan3A_17 = arith.constant 1 : i32
    %scan3A_18 = scf.for %scan3A_33 = %scan3A_14 to %scan3A_16 step %scan3A_17 iter_args(%scan3A_34 = %scan3A_13) -> (i32)  : i32 {
      %mul3A_35 = arith.constant 2 : i32
      %mul3A_36 = arith.muli %mul3A_35, %scan3A_33 : i32
      %dma_wait3A_37 = arith.constant 0 : i32
      %dma_wait3A_38 = arith.constant 0 : i32
      %dma_wait3A_39 = tpu.memref_slice %arg2[%dma_wait3A_37, %dma_wait3A_38] : memref<10000x128xf32, #tpu.memory_space<hbm>> -> memref<10000x128xf32, #tpu.memory_space<hbm>>
      tpu.wait_indirect_dma semaphore(%arg15 : memref<!tpu.dma_semaphore, #tpu.memory_space<semaphore_mem>>) src(%dma_wait3A_39 : memref<10000x128xf32, #tpu.memory_space<hbm>>) dst(%arg12 : memref<120x128xf32, #tpu.memory_space<vmem>>)
      %gt3A = arith.constant 0 : i32
      %gt3A_40 = arith.cmpi sgt, %mul3A_36, %gt3A : i32
      %convert_element_type3A = arith.extui %gt3A_40 : i1 to i32
      %cond3A = arith.constant 0 : i32
      %cond3A_41 = arith.cmpi ne, %convert_element_type3A, %cond3A : i32
      scf.if %cond3A_41 {
        %dma_wait3A_80 = arith.constant 0 : i32
        %dma_wait3A_81 = arith.constant 0 : i32
        %dma_wait3A_82 = tpu.memref_slice %arg7[%dma_wait3A_80, %dma_wait3A_81] : memref<10240x128xf32, #tpu.memory_space<vmem_shared>> -> memref<10240x128xf32, #tpu.memory_space<vmem_shared>>
        tpu.wait_indirect_dma semaphore(%arg18 : memref<!tpu.dma_semaphore, #tpu.memory_space<semaphore_mem>>) src(%arg13 : memref<120x128xf32, #tpu.memory_space<vmem>>) dst(%dma_wait3A_82 : memref<10240x128xf32, #tpu.memory_space<vmem_shared>>)
      } else {
      }
      %add3A_42 = arith.constant 1 : i32
      %add3A_43 = arith.addi %mul3A_36, %add3A_42 : i32
      %min3A = arith.constant 83 : i32
      %min3A_44 = arith.minsi %add3A_43, %min3A : i32
      %mul3A_45 = arith.constant 120 : i32
      %mul3A_46 = arith.muli %min3A_44, %mul3A_45 : i32
      %add3A_47 = arith.addi %mul3A_10, %mul3A_46 : i32
      "tpu.region"() ({
        %run_scoped3A = tpu.sem_alloc : memref<!tpu.dma_semaphore, #tpu.memory_space<semaphore_mem>>
        %dma_start3A_80 = tpu.memref_slice %arg3[%add3A_47] : memref<322560xi32, #tpu.memory_space<hbm>> -> memref<120xi32, #tpu.memory_space<hbm>>
        %dma_start3A_81 = tpu.memref_slice %arg3[%add3A_47] : memref<322560xi32, #tpu.memory_space<hbm>> -> memref<120xi32, #tpu.memory_space<hbm>>
        tpu.enqueue_dma source(%dma_start3A_81 : memref<120xi32, #tpu.memory_space<hbm>>) target(%arg10 : memref<120xi32, #tpu.memory_space<vmem>>) target_semaphore(%run_scoped3A : memref<!tpu.dma_semaphore, #tpu.memory_space<semaphore_mem>>)
        %dma_wait3A_82 = tpu.memref_slice %arg3[%add3A_47] : memref<322560xi32, #tpu.memory_space<hbm>> -> memref<120xi32, #tpu.memory_space<hbm>>
        %dma_wait3A_83 = tpu.memref_slice %arg3[%add3A_47] : memref<322560xi32, #tpu.memory_space<hbm>> -> memref<120xi32, #tpu.memory_space<hbm>>
        tpu.wait_dma2 semaphore(%run_scoped3A : memref<!tpu.dma_semaphore, #tpu.memory_space<semaphore_mem>>) src(%dma_wait3A_83 : memref<120xi32, #tpu.memory_space<hbm>>) dst(%arg10 : memref<120xi32, #tpu.memory_space<vmem>>)
        tpu.yield
      }) : () -> ()
      "tpu.region"() ({
        %run_scoped3A = tpu.sem_alloc : memref<!tpu.dma_semaphore, #tpu.memory_space<semaphore_mem>>
        %dma_start3A_80 = tpu.memref_slice %arg4[%add3A_47] : memref<322560xi32, #tpu.memory_space<hbm>> -> memref<120xi32, #tpu.memory_space<hbm>>
        %dma_start3A_81 = tpu.memref_slice %arg4[%add3A_47] : memref<322560xi32, #tpu.memory_space<hbm>> -> memref<120xi32, #tpu.memory_space<hbm>>
        tpu.enqueue_dma source(%dma_start3A_81 : memref<120xi32, #tpu.memory_space<hbm>>) target(%arg11 : memref<120xi32, #tpu.memory_space<vmem>>) target_semaphore(%run_scoped3A : memref<!tpu.dma_semaphore, #tpu.memory_space<semaphore_mem>>)
        %dma_wait3A_82 = tpu.memref_slice %arg4[%add3A_47] : memref<322560xi32, #tpu.memory_space<hbm>> -> memref<120xi32, #tpu.memory_space<hbm>>
        %dma_wait3A_83 = tpu.memref_slice %arg4[%add3A_47] : memref<322560xi32, #tpu.memory_space<hbm>> -> memref<120xi32, #tpu.memory_space<hbm>>
        tpu.wait_dma2 semaphore(%run_scoped3A : memref<!tpu.dma_semaphore, #tpu.memory_space<semaphore_mem>>) src(%dma_wait3A_83 : memref<120xi32, #tpu.memory_space<hbm>>) dst(%arg11 : memref<120xi32, #tpu.memory_space<vmem>>)
        tpu.yield
      }) : () -> ()
      %dma_start3A_48 = arith.constant 0 : i32
      %dma_start3A_49 = arith.constant 0 : i32
      %dma_start3A_50 = tpu.memref_slice %arg2[%dma_start3A_48, %dma_start3A_49] : memref<10000x128xf32, #tpu.memory_space<hbm>> -> memref<10000x128xf32, #tpu.memory_space<hbm>>
      tpu.enqueue_indirect_dma source(%dma_start3A_50 : memref<10000x128xf32, #tpu.memory_space<hbm>>) target(%arg13 : memref<120x128xf32, #tpu.memory_space<vmem>>) offsets(%arg10 : memref<120xi32, #tpu.memory_space<vmem>>) semaphore(%arg16 : memref<!tpu.dma_semaphore, #tpu.memory_space<semaphore_mem>>)
      %dma_start3A_51 = arith.constant 0 : i32
      %dma_start3A_52 = arith.constant 0 : i32
      %dma_start3A_53 = tpu.memref_slice %arg7[%dma_start3A_51, %dma_start3A_52] : memref<10240x128xf32, #tpu.memory_space<vmem_shared>> -> memref<10240x128xf32, #tpu.memory_space<vmem_shared>>
      tpu.enqueue_indirect_dma source(%arg12 : memref<120x128xf32, #tpu.memory_space<vmem>>) target(%dma_start3A_53 : memref<10240x128xf32, #tpu.memory_space<vmem_shared>>) offsets(%arg9 : memref<120xi32, #tpu.memory_space<vmem>>) semaphore(%arg17 : memref<!tpu.dma_semaphore, #tpu.memory_space<semaphore_mem>>) {add = true}
      %mul3A_54 = arith.constant 2 : i32
      %mul3A_55 = arith.muli %mul3A_54, %scan3A_33 : i32
      %add3A_56 = arith.constant 1 : i32
      %add3A_57 = arith.addi %mul3A_55, %add3A_56 : i32
      %dma_wait3A_58 = arith.constant 0 : i32
      %dma_wait3A_59 = arith.constant 0 : i32
      %dma_wait3A_60 = tpu.memref_slice %arg2[%dma_wait3A_58, %dma_wait3A_59] : memref<10000x128xf32, #tpu.memory_space<hbm>> -> memref<10000x128xf32, #tpu.memory_space<hbm>>
      tpu.wait_indirect_dma semaphore(%arg16 : memref<!tpu.dma_semaphore, #tpu.memory_space<semaphore_mem>>) src(%dma_wait3A_60 : memref<10000x128xf32, #tpu.memory_space<hbm>>) dst(%arg13 : memref<120x128xf32, #tpu.memory_space<vmem>>)
      %gt3A_61 = arith.constant 0 : i32
      %gt3A_62 = arith.cmpi sgt, %add3A_57, %gt3A_61 : i32
      %convert_element_type3A_63 = arith.extui %gt3A_62 : i1 to i32
      %cond3A_64 = arith.constant 0 : i32
      %cond3A_65 = arith.cmpi ne, %convert_element_type3A_63, %cond3A_64 : i32
      scf.if %cond3A_65 {
        %dma_wait3A_80 = arith.constant 0 : i32
        %dma_wait3A_81 = arith.constant 0 : i32
        %dma_wait3A_82 = tpu.memref_slice %arg7[%dma_wait3A_80, %dma_wait3A_81] : memref<10240x128xf32, #tpu.memory_space<vmem_shared>> -> memref<10240x128xf32, #tpu.memory_space<vmem_shared>>
        tpu.wait_indirect_dma semaphore(%arg17 : memref<!tpu.dma_semaphore, #tpu.memory_space<semaphore_mem>>) src(%arg12 : memref<120x128xf32, #tpu.memory_space<vmem>>) dst(%dma_wait3A_82 : memref<10240x128xf32, #tpu.memory_space<vmem_shared>>)
      } else {
      }
      %add3A_66 = arith.constant 1 : i32
      %add3A_67 = arith.addi %add3A_57, %add3A_66 : i32
      %min3A_68 = arith.constant 83 : i32
      %min3A_69 = arith.minsi %add3A_67, %min3A_68 : i32
      %mul3A_70 = arith.constant 120 : i32
      %mul3A_71 = arith.muli %min3A_69, %mul3A_70 : i32
      %add3A_72 = arith.addi %mul3A_10, %mul3A_71 : i32
      "tpu.region"() ({
        %run_scoped3A = tpu.sem_alloc : memref<!tpu.dma_semaphore, #tpu.memory_space<semaphore_mem>>
        %dma_start3A_80 = tpu.memref_slice %arg3[%add3A_72] : memref<322560xi32, #tpu.memory_space<hbm>> -> memref<120xi32, #tpu.memory_space<hbm>>
        %dma_start3A_81 = tpu.memref_slice %arg3[%add3A_72] : memref<322560xi32, #tpu.memory_space<hbm>> -> memref<120xi32, #tpu.memory_space<hbm>>
        tpu.enqueue_dma source(%dma_start3A_81 : memref<120xi32, #tpu.memory_space<hbm>>) target(%arg8 : memref<120xi32, #tpu.memory_space<vmem>>) target_semaphore(%run_scoped3A : memref<!tpu.dma_semaphore, #tpu.memory_space<semaphore_mem>>)
        %dma_wait3A_82 = tpu.memref_slice %arg3[%add3A_72] : memref<322560xi32, #tpu.memory_space<hbm>> -> memref<120xi32, #tpu.memory_space<hbm>>
        %dma_wait3A_83 = tpu.memref_slice %arg3[%add3A_72] : memref<322560xi32, #tpu.memory_space<hbm>> -> memref<120xi32, #tpu.memory_space<hbm>>
        tpu.wait_dma2 semaphore(%run_scoped3A : memref<!tpu.dma_semaphore, #tpu.memory_space<semaphore_mem>>) src(%dma_wait3A_83 : memref<120xi32, #tpu.memory_space<hbm>>) dst(%arg8 : memref<120xi32, #tpu.memory_space<vmem>>)
        tpu.yield
      }) : () -> ()
      "tpu.region"() ({
        %run_scoped3A = tpu.sem_alloc : memref<!tpu.dma_semaphore, #tpu.memory_space<semaphore_mem>>
        %dma_start3A_80 = tpu.memref_slice %arg4[%add3A_72] : memref<322560xi32, #tpu.memory_space<hbm>> -> memref<120xi32, #tpu.memory_space<hbm>>
        %dma_start3A_81 = tpu.memref_slice %arg4[%add3A_72] : memref<322560xi32, #tpu.memory_space<hbm>> -> memref<120xi32, #tpu.memory_space<hbm>>
        tpu.enqueue_dma source(%dma_start3A_81 : memref<120xi32, #tpu.memory_space<hbm>>) target(%arg9 : memref<120xi32, #tpu.memory_space<vmem>>) target_semaphore(%run_scoped3A : memref<!tpu.dma_semaphore, #tpu.memory_space<semaphore_mem>>)
        %dma_wait3A_82 = tpu.memref_slice %arg4[%add3A_72] : memref<322560xi32, #tpu.memory_space<hbm>> -> memref<120xi32, #tpu.memory_space<hbm>>
        %dma_wait3A_83 = tpu.memref_slice %arg4[%add3A_72] : memref<322560xi32, #tpu.memory_space<hbm>> -> memref<120xi32, #tpu.memory_space<hbm>>
        tpu.wait_dma2 semaphore(%run_scoped3A : memref<!tpu.dma_semaphore, #tpu.memory_space<semaphore_mem>>) src(%dma_wait3A_83 : memref<120xi32, #tpu.memory_space<hbm>>) dst(%arg9 : memref<120xi32, #tpu.memory_space<vmem>>)
        tpu.yield
      }) : () -> ()
      %dma_start3A_73 = arith.constant 0 : i32
      %dma_start3A_74 = arith.constant 0 : i32
      %dma_start3A_75 = tpu.memref_slice %arg2[%dma_start3A_73, %dma_start3A_74] : memref<10000x128xf32, #tpu.memory_space<hbm>> -> memref<10000x128xf32, #tpu.memory_space<hbm>>
      tpu.enqueue_indirect_dma source(%dma_start3A_75 : memref<10000x128xf32, #tpu.memory_space<hbm>>) target(%arg12 : memref<120x128xf32, #tpu.memory_space<vmem>>) offsets(%arg8 : memref<120xi32, #tpu.memory_space<vmem>>) semaphore(%arg15 : memref<!tpu.dma_semaphore, #tpu.memory_space<semaphore_mem>>)
      %dma_start3A_76 = arith.constant 0 : i32
      %dma_start3A_77 = arith.constant 0 : i32
      %dma_start3A_78 = tpu.memref_slice %arg7[%dma_start3A_76, %dma_start3A_77] : memref<10240x128xf32, #tpu.memory_space<vmem_shared>> -> memref<10240x128xf32, #tpu.memory_space<vmem_shared>>
      tpu.enqueue_indirect_dma source(%arg13 : memref<120x128xf32, #tpu.memory_space<vmem>>) target(%dma_start3A_78 : memref<10240x128xf32, #tpu.memory_space<vmem_shared>>) offsets(%arg11 : memref<120xi32, #tpu.memory_space<vmem>>) semaphore(%arg18 : memref<!tpu.dma_semaphore, #tpu.memory_space<semaphore_mem>>) {add = true}
      %scan3A_79 = arith.constant 0 : i32
      scf.yield %scan3A_79 : i32
    }
    %scan3A_19 = arith.constant 42 : i32
    %dma_wait3A = arith.constant 0 : i32
    %dma_wait3A_20 = arith.constant 0 : i32
    %dma_wait3A_21 = tpu.memref_slice %arg2[%dma_wait3A, %dma_wait3A_20] : memref<10000x128xf32, #tpu.memory_space<hbm>> -> memref<10000x128xf32, #tpu.memory_space<hbm>>
    tpu.wait_indirect_dma semaphore(%arg15 : memref<!tpu.dma_semaphore, #tpu.memory_space<semaphore_mem>>) src(%dma_wait3A_21 : memref<10000x128xf32, #tpu.memory_space<hbm>>) dst(%arg12 : memref<120x128xf32, #tpu.memory_space<vmem>>)
    %dma_wait3A_22 = arith.constant 0 : i32
    %dma_wait3A_23 = arith.constant 0 : i32
    %dma_wait3A_24 = tpu.memref_slice %arg7[%dma_wait3A_22, %dma_wait3A_23] : memref<10240x128xf32, #tpu.memory_space<vmem_shared>> -> memref<10240x128xf32, #tpu.memory_space<vmem_shared>>
    tpu.wait_indirect_dma semaphore(%arg18 : memref<!tpu.dma_semaphore, #tpu.memory_space<semaphore_mem>>) src(%arg13 : memref<120x128xf32, #tpu.memory_space<vmem>>) dst(%dma_wait3A_24 : memref<10240x128xf32, #tpu.memory_space<vmem_shared>>)
    %barrier3A_25 = arith.constant 0 : index
    tpu.barrier barrier_id(%barrier3A_25)
    %scan3A_26 = arith.constant 0 : i32
    %scan3A_27 = arith.constant 0 : i32
    %scan3A_28 = arith.constant 40 : i32
    %scan3A_29 = arith.addi %scan3A_27, %scan3A_28 : i32
    %scan3A_30 = arith.constant 1 : i32
    %scan3A_31 = scf.for %scan3A_33 = %scan3A_27 to %scan3A_29 step %scan3A_30 iter_args(%scan3A_34 = %scan3A_26) -> (i32)  : i32 {
      %mul3A_35 = arith.constant 16 : i32
      %mul3A_36 = arith.muli %scan3A_33, %mul3A_35 : i32
      %add3A_37 = arith.addi %mul3A_2, %mul3A_36 : i32
      "tpu.region"() ({
        %run_scoped3A = tpu.sem_alloc : memref<!tpu.dma_semaphore, #tpu.memory_space<semaphore_mem>>
        %dma_start3A_42 = arith.constant 0 : i32
        %dma_start3A_43 = tpu.memref_slice %arg7[%add3A_37, %dma_start3A_42] : memref<10240x128xf32, #tpu.memory_space<vmem_shared>> -> memref<16x128xf32, #tpu.memory_space<vmem_shared>>
        %dma_start3A_44 = arith.constant 0 : i32
        %dma_start3A_45 = tpu.memref_slice %arg7[%add3A_37, %dma_start3A_44] : memref<10240x128xf32, #tpu.memory_space<vmem_shared>> -> memref<16x128xf32, #tpu.memory_space<vmem_shared>>
        tpu.enqueue_dma source(%dma_start3A_45 : memref<16x128xf32, #tpu.memory_space<vmem_shared>>) target(%arg14 : memref<16x128xf32, #tpu.memory_space<vmem>>) target_semaphore(%run_scoped3A : memref<!tpu.dma_semaphore, #tpu.memory_space<semaphore_mem>>)
        %dma_wait3A_46 = arith.constant 0 : i32
        %dma_wait3A_47 = tpu.memref_slice %arg7[%add3A_37, %dma_wait3A_46] : memref<10240x128xf32, #tpu.memory_space<vmem_shared>> -> memref<16x128xf32, #tpu.memory_space<vmem_shared>>
        %dma_wait3A_48 = arith.constant 0 : i32
        %dma_wait3A_49 = tpu.memref_slice %arg7[%add3A_37, %dma_wait3A_48] : memref<10240x128xf32, #tpu.memory_space<vmem_shared>> -> memref<16x128xf32, #tpu.memory_space<vmem_shared>>
        tpu.wait_dma2 semaphore(%run_scoped3A : memref<!tpu.dma_semaphore, #tpu.memory_space<semaphore_mem>>) src(%dma_wait3A_49 : memref<16x128xf32, #tpu.memory_space<vmem_shared>>) dst(%arg14 : memref<16x128xf32, #tpu.memory_space<vmem>>)
        tpu.yield
      }) : () -> ()
      %mul3A_38 = arith.constant 16 : i32
      %mul3A_39 = arith.muli %scan3A_33, %mul3A_38 : i32
      %add3A_40 = arith.addi %mul3A_2, %mul3A_39 : i32
      "tpu.region"() ({
        %run_scoped3A = tpu.sem_alloc : memref<!tpu.dma_semaphore, #tpu.memory_space<semaphore_mem>>
        %dma_start3A_42 = arith.constant 0 : i32
        %dma_start3A_43 = tpu.memref_slice %arg6[%arg0, %add3A_40, %dma_start3A_42] : memref<2x10240x128xf32, #tpu.memory_space<hbm>> -> memref<1x16x128xf32, #tpu.memory_space<hbm>>
        %dma_start3A_44 = tpu.memref_squeeze %dma_start3A_43 : memref<1x16x128xf32, #tpu.memory_space<hbm>> -> memref<16x128xf32, #tpu.memory_space<hbm>>
        %dma_start3A_45 = arith.constant 0 : i32
        %dma_start3A_46 = tpu.memref_slice %arg6[%arg0, %add3A_40, %dma_start3A_45] : memref<2x10240x128xf32, #tpu.memory_space<hbm>> -> memref<1x16x128xf32, #tpu.memory_space<hbm>>
        %dma_start3A_47 = tpu.memref_squeeze %dma_start3A_46 : memref<1x16x128xf32, #tpu.memory_space<hbm>> -> memref<16x128xf32, #tpu.memory_space<hbm>>
        tpu.enqueue_dma source(%arg14 : memref<16x128xf32, #tpu.memory_space<vmem>>) target(%dma_start3A_47 : memref<16x128xf32, #tpu.memory_space<hbm>>) target_semaphore(%run_scoped3A : memref<!tpu.dma_semaphore, #tpu.memory_space<semaphore_mem>>)
        %dma_wait3A_48 = arith.constant 0 : i32
        %dma_wait3A_49 = tpu.memref_slice %arg6[%arg0, %add3A_40, %dma_wait3A_48] : memref<2x10240x128xf32, #tpu.memory_space<hbm>> -> memref<1x16x128xf32, #tpu.memory_space<hbm>>
        %dma_wait3A_50 = tpu.memref_squeeze %dma_wait3A_49 : memref<1x16x128xf32, #tpu.memory_space<hbm>> -> memref<16x128xf32, #tpu.memory_space<hbm>>
        %dma_wait3A_51 = arith.constant 0 : i32
        %dma_wait3A_52 = tpu.memref_slice %arg6[%arg0, %add3A_40, %dma_wait3A_51] : memref<2x10240x128xf32, #tpu.memory_space<hbm>> -> memref<1x16x128xf32, #tpu.memory_space<hbm>>
        %dma_wait3A_53 = tpu.memref_squeeze %dma_wait3A_52 : memref<1x16x128xf32, #tpu.memory_space<hbm>> -> memref<16x128xf32, #tpu.memory_space<hbm>>
        tpu.wait_dma2 semaphore(%run_scoped3A : memref<!tpu.dma_semaphore, #tpu.memory_space<semaphore_mem>>) src(%arg14 : memref<16x128xf32, #tpu.memory_space<vmem>>) dst(%dma_wait3A_53 : memref<16x128xf32, #tpu.memory_space<hbm>>)
        tpu.yield
      }) : () -> ()
      %scan3A_41 = arith.constant 0 : i32
      scf.yield %scan3A_41 : i32
    }
    %scan3A_32 = arith.constant 40 : i32
    return
  }
}

#map = affine_map<(d0, d1) -> (0, 0)>
#map1 = affine_map<(d0, d1) -> (0)>
#map2 = affine_map<(d0, d1) -> (0, 0, 0)>
module attributes {stable_mosaic.version = 14 : i64} {
  func.func @body(%arg0: i32, %arg1: i32, %arg2: memref<10000x128xf32, #tpu.memory_space<hbm>>, %arg3: memref<322560xi32, #tpu.memory_space<hbm>>, %arg4: memref<322560xi32, #tpu.memory_space<hbm>>, %arg5: memref<16x128xf32, #tpu.memory_space<hbm>>, %arg6: memref<2x10240x128xf32, #tpu.memory_space<hbm>>, %arg7: memref<10240x128xf32, #tpu.memory_space<vmem_shared>>, %arg8: memref<120xi32, #tpu.memory_space<vmem>>, %arg9: memref<120xi32, #tpu.memory_space<vmem>>, %arg10: memref<120xi32, #tpu.memory_space<vmem>>, %arg11: memref<120xi32, #tpu.memory_space<vmem>>, %arg12: memref<120x128xf32, #tpu.memory_space<vmem>>, %arg13: memref<120x128xf32, #tpu.memory_space<vmem>>, %arg14: memref<16x128xf32, #tpu.memory_space<vmem>>, %arg15: memref<!tpu.dma_semaphore, #tpu.memory_space<semaphore_mem>>, %arg16: memref<!tpu.dma_semaphore, #tpu.memory_space<semaphore_mem>>, %arg17: memref<!tpu.dma_semaphore, #tpu.memory_space<semaphore_mem>>, %arg18: memref<!tpu.dma_semaphore, #tpu.memory_space<semaphore_mem>>) attributes {dimension_semantics = [#tpu.dimension_semantics<core_parallel>, #tpu.dimension_semantics<subcore_parallel>], iteration_bounds = array<i64: 2, 16>, scalar_prefetch = 0 : i64, scratch_operands = 12 : i64, tpu.core_type = #tpu.core_type<sc_vector_subcore>, window_params = [{transform_indices = #map}, {transform_indices = #map1}, {transform_indices = #map1}, {transform_indices = #map}, {transform_indices = #map2}]} {
    %mul3A = arith.constant 2 : i32
    %mul3A_0 = arith.muli %arg1, %mul3A : i32
    %add3A = arith.addi %mul3A_0, %arg0 : i32
    %mul3A_1 = arith.constant 640 : i32
    %mul3A_2 = arith.muli %arg1, %mul3A_1 : i32
    "tpu.region"() ({
      %run_scoped3A = tpu.sem_alloc : memref<!tpu.dma_semaphore, #tpu.memory_space<semaphore_mem>>
      tpu.enqueue_dma source(%arg5 : memref<16x128xf32, #tpu.memory_space<hbm>>) target(%arg14 : memref<16x128xf32, #tpu.memory_space<vmem>>) target_semaphore(%run_scoped3A : memref<!tpu.dma_semaphore, #tpu.memory_space<semaphore_mem>>)
      tpu.wait_dma2 semaphore(%run_scoped3A : memref<!tpu.dma_semaphore, #tpu.memory_space<semaphore_mem>>) src(%arg5 : memref<16x128xf32, #tpu.memory_space<hbm>>) dst(%arg14 : memref<16x128xf32, #tpu.memory_space<vmem>>)
      tpu.yield
    }) : () -> ()
    %scan3A = arith.constant 0 : i32
    %scan3A_3 = arith.constant 0 : i32
    %scan3A_4 = arith.constant 40 : i32
    %scan3A_5 = arith.addi %scan3A_3, %scan3A_4 : i32
    %scan3A_6 = arith.constant 1 : i32
    %scan3A_7 = scf.for %scan3A_33 = %scan3A_3 to %scan3A_5 step %scan3A_6 iter_args(%scan3A_34 = %scan3A) -> (i32)  : i32 {
      %mul3A_35 = arith.constant 16 : i32
      %mul3A_36 = arith.muli %scan3A_33, %mul3A_35 : i32
      %add3A_37 = arith.addi %mul3A_2, %mul3A_36 : i32
      "tpu.region"() ({
        %run_scoped3A = tpu.sem_alloc : memref<!tpu.dma_semaphore, #tpu.memory_space<semaphore_mem>>
        %dma_start3A_39 = arith.constant 0 : i32
        %dma_start3A_40 = tpu.memref_slice %arg7[%add3A_37, %dma_start3A_39] : memref<10240x128xf32, #tpu.memory_space<vmem_shared>> -> memref<16x128xf32, #tpu.memory_space<vmem_shared>>
        %dma_start3A_41 = arith.constant 0 : i32
        %dma_start3A_42 = tpu.memref_slice %arg7[%add3A_37, %dma_start3A_41] : memref<10240x128xf32, #tpu.memory_space<vmem_shared>> -> memref<16x128xf32, #tpu.memory_space<vmem_shared>>
        tpu.enqueue_dma source(%arg14 : memref<16x128xf32, #tpu.memory_space<vmem>>) target(%dma_start3A_42 : memref<16x128xf32, #tpu.memory_space<vmem_shared>>) target_semaphore(%run_scoped3A : memref<!tpu.dma_semaphore, #tpu.memory_space<semaphore_mem>>)
        %dma_wait3A_43 = arith.constant 0 : i32
        %dma_wait3A_44 = tpu.memref_slice %arg7[%add3A_37, %dma_wait3A_43] : memref<10240x128xf32, #tpu.memory_space<vmem_shared>> -> memref<16x128xf32, #tpu.memory_space<vmem_shared>>
        %dma_wait3A_45 = arith.constant 0 : i32
        %dma_wait3A_46 = tpu.memref_slice %arg7[%add3A_37, %dma_wait3A_45] : memref<10240x128xf32, #tpu.memory_space<vmem_shared>> -> memref<16x128xf32, #tpu.memory_space<vmem_shared>>
        tpu.wait_dma2 semaphore(%run_scoped3A : memref<!tpu.dma_semaphore, #tpu.memory_space<semaphore_mem>>) src(%arg14 : memref<16x128xf32, #tpu.memory_space<vmem>>) dst(%dma_wait3A_46 : memref<16x128xf32, #tpu.memory_space<vmem_shared>>)
        tpu.yield
      }) : () -> ()
      %scan3A_38 = arith.constant 0 : i32
      scf.yield %scan3A_38 : i32
    }
    %scan3A_8 = arith.constant 40 : i32
    %barrier3A = arith.constant 0 : index
    tpu.barrier barrier_id(%barrier3A)
    %mul3A_9 = arith.constant 10080 : i32
    %mul3A_10 = arith.muli %add3A, %mul3A_9 : i32
    "tpu.region"() ({
      %run_scoped3A = tpu.sem_alloc : memref<!tpu.dma_semaphore, #tpu.memory_space<semaphore_mem>>
      %dma_start3A_33 = tpu.memref_slice %arg3[%mul3A_10] : memref<322560xi32, #tpu.memory_space<hbm>> -> memref<120xi32, #tpu.memory_space<hbm>>
      %dma_start3A_34 = tpu.memref_slice %arg3[%mul3A_10] : memref<322560xi32, #tpu.memory_space<hbm>> -> memref<120xi32, #tpu.memory_space<hbm>>
      tpu.enqueue_dma source(%dma_start3A_34 : memref<120xi32, #tpu.memory_space<hbm>>) target(%arg8 : memref<120xi32, #tpu.memory_space<vmem>>) target_semaphore(%run_scoped3A : memref<!tpu.dma_semaphore, #tpu.memory_space<semaphore_mem>>)
      %dma_wait3A_35 = tpu.memref_slice %arg3[%mul3A_10] : memref<322560xi32, #tpu.memory_space<hbm>> -> memref<120xi32, #tpu.memory_space<hbm>>
      %dma_wait3A_36 = tpu.memref_slice %arg3[%mul3A_10] : memref<322560xi32, #tpu.memory_space<hbm>> -> memref<120xi32, #tpu.memory_space<hbm>>
      tpu.wait_dma2 semaphore(%run_scoped3A : memref<!tpu.dma_semaphore, #tpu.memory_space<semaphore_mem>>) src(%dma_wait3A_36 : memref<120xi32, #tpu.memory_space<hbm>>) dst(%arg8 : memref<120xi32, #tpu.memory_space<vmem>>)
      tpu.yield
    }) : () -> ()
    "tpu.region"() ({
      %run_scoped3A = tpu.sem_alloc : memref<!tpu.dma_semaphore, #tpu.memory_space<semaphore_mem>>
      %dma_start3A_33 = tpu.memref_slice %arg4[%mul3A_10] : memref<322560xi32, #tpu.memory_space<hbm>> -> memref<120xi32, #tpu.memory_space<hbm>>
      %dma_start3A_34 = tpu.memref_slice %arg4[%mul3A_10] : memref<322560xi32, #tpu.memory_space<hbm>> -> memref<120xi32, #tpu.memory_space<hbm>>
      tpu.enqueue_dma source(%dma_start3A_34 : memref<120xi32, #tpu.memory_space<hbm>>) target(%arg9 : memref<120xi32, #tpu.memory_space<vmem>>) target_semaphore(%run_scoped3A : memref<!tpu.dma_semaphore, #tpu.memory_space<semaphore_mem>>)
      %dma_wait3A_35 = tpu.memref_slice %arg4[%mul3A_10] : memref<322560xi32, #tpu.memory_space<hbm>> -> memref<120xi32, #tpu.memory_space<hbm>>
      %dma_wait3A_36 = tpu.memref_slice %arg4[%mul3A_10] : memref<322560xi32, #tpu.memory_space<hbm>> -> memref<120xi32, #tpu.memory_space<hbm>>
      tpu.wait_dma2 semaphore(%run_scoped3A : memref<!tpu.dma_semaphore, #tpu.memory_space<semaphore_mem>>) src(%dma_wait3A_36 : memref<120xi32, #tpu.memory_space<hbm>>) dst(%arg9 : memref<120xi32, #tpu.memory_space<vmem>>)
      tpu.yield
    }) : () -> ()
    %dma_start3A = arith.constant 0 : i32
    %dma_start3A_11 = arith.constant 0 : i32
    %dma_start3A_12 = tpu.memref_slice %arg2[%dma_start3A, %dma_start3A_11] : memref<10000x128xf32, #tpu.memory_space<hbm>> -> memref<10000x128xf32, #tpu.memory_space<hbm>>
    tpu.enqueue_indirect_dma source(%dma_start3A_12 : memref<10000x128xf32, #tpu.memory_space<hbm>>) target(%arg12 : memref<120x128xf32, #tpu.memory_space<vmem>>) offsets(%arg8 : memref<120xi32, #tpu.memory_space<vmem>>) semaphore(%arg15 : memref<!tpu.dma_semaphore, #tpu.memory_space<semaphore_mem>>)
    %scan3A_13 = arith.constant 0 : i32
    %scan3A_14 = arith.constant 0 : i32
    %scan3A_15 = arith.constant 42 : i32
    %scan3A_16 = arith.addi %scan3A_14, %scan3A_15 : i32
    %scan3A_17 = arith.constant 1 : i32
    %scan3A_18 = scf.for %scan3A_33 = %scan3A_14 to %scan3A_16 step %scan3A_17 iter_args(%scan3A_34 = %scan3A_13) -> (i32)  : i32 {
      %mul3A_35 = arith.constant 2 : i32
      %mul3A_36 = arith.muli %mul3A_35, %scan3A_33 : i32
      %dma_wait3A_37 = arith.constant 0 : i32
      %dma_wait3A_38 = arith.constant 0 : i32
      %dma_wait3A_39 = tpu.memref_slice %arg2[%dma_wait3A_37, %dma_wait3A_38] : memref<10000x128xf32, #tpu.memory_space<hbm>> -> memref<10000x128xf32, #tpu.memory_space<hbm>>
      tpu.wait_indirect_dma semaphore(%arg15 : memref<!tpu.dma_semaphore, #tpu.memory_space<semaphore_mem>>) src(%dma_wait3A_39 : memref<10000x128xf32, #tpu.memory_space<hbm>>) dst(%arg12 : memref<120x128xf32, #tpu.memory_space<vmem>>)
      %gt3A = arith.constant 0 : i32
      %gt3A_40 = arith.cmpi sgt, %mul3A_36, %gt3A : i32
      %convert_element_type3A = arith.extui %gt3A_40 : i1 to i32
      %cond3A = arith.constant 0 : i32
      %cond3A_41 = arith.cmpi ne, %convert_element_type3A, %cond3A : i32
      scf.if %cond3A_41 {
        %dma_wait3A_80 = arith.constant 0 : i32
        %dma_wait3A_81 = arith.constant 0 : i32
        %dma_wait3A_82 = tpu.memref_slice %arg7[%dma_wait3A_80, %dma_wait3A_81] : memref<10240x128xf32, #tpu.memory_space<vmem_shared>> -> memref<10240x128xf32, #tpu.memory_space<vmem_shared>>
        tpu.wait_indirect_dma semaphore(%arg18 : memref<!tpu.dma_semaphore, #tpu.memory_space<semaphore_mem>>) src(%arg13 : memref<120x128xf32, #tpu.memory_space<vmem>>) dst(%dma_wait3A_82 : memref<10240x128xf32, #tpu.memory_space<vmem_shared>>)
      } else {
      }
      %add3A_42 = arith.constant 1 : i32
      %add3A_43 = arith.addi %mul3A_36, %add3A_42 : i32
      %min3A = arith.constant 83 : i32
      %min3A_44 = arith.minsi %add3A_43, %min3A : i32
      %mul3A_45 = arith.constant 120 : i32
      %mul3A_46 = arith.muli %min3A_44, %mul3A_45 : i32
      %add3A_47 = arith.addi %mul3A_10, %mul3A_46 : i32
      "tpu.region"() ({
        %run_scoped3A = tpu.sem_alloc : memref<!tpu.dma_semaphore, #tpu.memory_space<semaphore_mem>>
        %dma_start3A_80 = tpu.memref_slice %arg3[%add3A_47] : memref<322560xi32, #tpu.memory_space<hbm>> -> memref<120xi32, #tpu.memory_space<hbm>>
        %dma_start3A_81 = tpu.memref_slice %arg3[%add3A_47] : memref<322560xi32, #tpu.memory_space<hbm>> -> memref<120xi32, #tpu.memory_space<hbm>>
        tpu.enqueue_dma source(%dma_start3A_81 : memref<120xi32, #tpu.memory_space<hbm>>) target(%arg10 : memref<120xi32, #tpu.memory_space<vmem>>) target_semaphore(%run_scoped3A : memref<!tpu.dma_semaphore, #tpu.memory_space<semaphore_mem>>)
        %dma_wait3A_82 = tpu.memref_slice %arg3[%add3A_47] : memref<322560xi32, #tpu.memory_space<hbm>> -> memref<120xi32, #tpu.memory_space<hbm>>
        %dma_wait3A_83 = tpu.memref_slice %arg3[%add3A_47] : memref<322560xi32, #tpu.memory_space<hbm>> -> memref<120xi32, #tpu.memory_space<hbm>>
        tpu.wait_dma2 semaphore(%run_scoped3A : memref<!tpu.dma_semaphore, #tpu.memory_space<semaphore_mem>>) src(%dma_wait3A_83 : memref<120xi32, #tpu.memory_space<hbm>>) dst(%arg10 : memref<120xi32, #tpu.memory_space<vmem>>)
        tpu.yield
      }) : () -> ()
      "tpu.region"() ({
        %run_scoped3A = tpu.sem_alloc : memref<!tpu.dma_semaphore, #tpu.memory_space<semaphore_mem>>
        %dma_start3A_80 = tpu.memref_slice %arg4[%add3A_47] : memref<322560xi32, #tpu.memory_space<hbm>> -> memref<120xi32, #tpu.memory_space<hbm>>
        %dma_start3A_81 = tpu.memref_slice %arg4[%add3A_47] : memref<322560xi32, #tpu.memory_space<hbm>> -> memref<120xi32, #tpu.memory_space<hbm>>
        tpu.enqueue_dma source(%dma_start3A_81 : memref<120xi32, #tpu.memory_space<hbm>>) target(%arg11 : memref<120xi32, #tpu.memory_space<vmem>>) target_semaphore(%run_scoped3A : memref<!tpu.dma_semaphore, #tpu.memory_space<semaphore_mem>>)
        %dma_wait3A_82 = tpu.memref_slice %arg4[%add3A_47] : memref<322560xi32, #tpu.memory_space<hbm>> -> memref<120xi32, #tpu.memory_space<hbm>>
        %dma_wait3A_83 = tpu.memref_slice %arg4[%add3A_47] : memref<322560xi32, #tpu.memory_space<hbm>> -> memref<120xi32, #tpu.memory_space<hbm>>
        tpu.wait_dma2 semaphore(%run_scoped3A : memref<!tpu.dma_semaphore, #tpu.memory_space<semaphore_mem>>) src(%dma_wait3A_83 : memref<120xi32, #tpu.memory_space<hbm>>) dst(%arg11 : memref<120xi32, #tpu.memory_space<vmem>>)
        tpu.yield
      }) : () -> ()
      %dma_start3A_48 = arith.constant 0 : i32
      %dma_start3A_49 = arith.constant 0 : i32
      %dma_start3A_50 = tpu.memref_slice %arg2[%dma_start3A_48, %dma_start3A_49] : memref<10000x128xf32, #tpu.memory_space<hbm>> -> memref<10000x128xf32, #tpu.memory_space<hbm>>
      tpu.enqueue_indirect_dma source(%dma_start3A_50 : memref<10000x128xf32, #tpu.memory_space<hbm>>) target(%arg13 : memref<120x128xf32, #tpu.memory_space<vmem>>) offsets(%arg10 : memref<120xi32, #tpu.memory_space<vmem>>) semaphore(%arg16 : memref<!tpu.dma_semaphore, #tpu.memory_space<semaphore_mem>>)
      %dma_start3A_51 = arith.constant 0 : i32
      %dma_start3A_52 = arith.constant 0 : i32
      %dma_start3A_53 = tpu.memref_slice %arg7[%dma_start3A_51, %dma_start3A_52] : memref<10240x128xf32, #tpu.memory_space<vmem_shared>> -> memref<10240x128xf32, #tpu.memory_space<vmem_shared>>
      tpu.enqueue_indirect_dma source(%arg12 : memref<120x128xf32, #tpu.memory_space<vmem>>) target(%dma_start3A_53 : memref<10240x128xf32, #tpu.memory_space<vmem_shared>>) offsets(%arg9 : memref<120xi32, #tpu.memory_space<vmem>>) semaphore(%arg17 : memref<!tpu.dma_semaphore, #tpu.memory_space<semaphore_mem>>) {add = true}
      %mul3A_54 = arith.constant 2 : i32
      %mul3A_55 = arith.muli %mul3A_54, %scan3A_33 : i32
      %add3A_56 = arith.constant 1 : i32
      %add3A_57 = arith.addi %mul3A_55, %add3A_56 : i32
      %dma_wait3A_58 = arith.constant 0 : i32
      %dma_wait3A_59 = arith.constant 0 : i32
      %dma_wait3A_60 = tpu.memref_slice %arg2[%dma_wait3A_58, %dma_wait3A_59] : memref<10000x128xf32, #tpu.memory_space<hbm>> -> memref<10000x128xf32, #tpu.memory_space<hbm>>
      tpu.wait_indirect_dma semaphore(%arg16 : memref<!tpu.dma_semaphore, #tpu.memory_space<semaphore_mem>>) src(%dma_wait3A_60 : memref<10000x128xf32, #tpu.memory_space<hbm>>) dst(%arg13 : memref<120x128xf32, #tpu.memory_space<vmem>>)
      %gt3A_61 = arith.constant 0 : i32
      %gt3A_62 = arith.cmpi sgt, %add3A_57, %gt3A_61 : i32
      %convert_element_type3A_63 = arith.extui %gt3A_62 : i1 to i32
      %cond3A_64 = arith.constant 0 : i32
      %cond3A_65 = arith.cmpi ne, %convert_element_type3A_63, %cond3A_64 : i32
      scf.if %cond3A_65 {
        %dma_wait3A_80 = arith.constant 0 : i32
        %dma_wait3A_81 = arith.constant 0 : i32
        %dma_wait3A_82 = tpu.memref_slice %arg7[%dma_wait3A_80, %dma_wait3A_81] : memref<10240x128xf32, #tpu.memory_space<vmem_shared>> -> memref<10240x128xf32, #tpu.memory_space<vmem_shared>>
        tpu.wait_indirect_dma semaphore(%arg17 : memref<!tpu.dma_semaphore, #tpu.memory_space<semaphore_mem>>) src(%arg12 : memref<120x128xf32, #tpu.memory_space<vmem>>) dst(%dma_wait3A_82 : memref<10240x128xf32, #tpu.memory_space<vmem_shared>>)
      } else {
      }
      %add3A_66 = arith.constant 1 : i32
      %add3A_67 = arith.addi %add3A_57, %add3A_66 : i32
      %min3A_68 = arith.constant 83 : i32
      %min3A_69 = arith.minsi %add3A_67, %min3A_68 : i32
      %mul3A_70 = arith.constant 120 : i32
      %mul3A_71 = arith.muli %min3A_69, %mul3A_70 : i32
      %add3A_72 = arith.addi %mul3A_10, %mul3A_71 : i32
      "tpu.region"() ({
        %run_scoped3A = tpu.sem_alloc : memref<!tpu.dma_semaphore, #tpu.memory_space<semaphore_mem>>
        %dma_start3A_80 = tpu.memref_slice %arg3[%add3A_72] : memref<322560xi32, #tpu.memory_space<hbm>> -> memref<120xi32, #tpu.memory_space<hbm>>
        %dma_start3A_81 = tpu.memref_slice %arg3[%add3A_72] : memref<322560xi32, #tpu.memory_space<hbm>> -> memref<120xi32, #tpu.memory_space<hbm>>
        tpu.enqueue_dma source(%dma_start3A_81 : memref<120xi32, #tpu.memory_space<hbm>>) target(%arg8 : memref<120xi32, #tpu.memory_space<vmem>>) target_semaphore(%run_scoped3A : memref<!tpu.dma_semaphore, #tpu.memory_space<semaphore_mem>>)
        %dma_wait3A_82 = tpu.memref_slice %arg3[%add3A_72] : memref<322560xi32, #tpu.memory_space<hbm>> -> memref<120xi32, #tpu.memory_space<hbm>>
        %dma_wait3A_83 = tpu.memref_slice %arg3[%add3A_72] : memref<322560xi32, #tpu.memory_space<hbm>> -> memref<120xi32, #tpu.memory_space<hbm>>
        tpu.wait_dma2 semaphore(%run_scoped3A : memref<!tpu.dma_semaphore, #tpu.memory_space<semaphore_mem>>) src(%dma_wait3A_83 : memref<120xi32, #tpu.memory_space<hbm>>) dst(%arg8 : memref<120xi32, #tpu.memory_space<vmem>>)
        tpu.yield
      }) : () -> ()
      "tpu.region"() ({
        %run_scoped3A = tpu.sem_alloc : memref<!tpu.dma_semaphore, #tpu.memory_space<semaphore_mem>>
        %dma_start3A_80 = tpu.memref_slice %arg4[%add3A_72] : memref<322560xi32, #tpu.memory_space<hbm>> -> memref<120xi32, #tpu.memory_space<hbm>>
        %dma_start3A_81 = tpu.memref_slice %arg4[%add3A_72] : memref<322560xi32, #tpu.memory_space<hbm>> -> memref<120xi32, #tpu.memory_space<hbm>>
        tpu.enqueue_dma source(%dma_start3A_81 : memref<120xi32, #tpu.memory_space<hbm>>) target(%arg9 : memref<120xi32, #tpu.memory_space<vmem>>) target_semaphore(%run_scoped3A : memref<!tpu.dma_semaphore, #tpu.memory_space<semaphore_mem>>)
        %dma_wait3A_82 = tpu.memref_slice %arg4[%add3A_72] : memref<322560xi32, #tpu.memory_space<hbm>> -> memref<120xi32, #tpu.memory_space<hbm>>
        %dma_wait3A_83 = tpu.memref_slice %arg4[%add3A_72] : memref<322560xi32, #tpu.memory_space<hbm>> -> memref<120xi32, #tpu.memory_space<hbm>>
        tpu.wait_dma2 semaphore(%run_scoped3A : memref<!tpu.dma_semaphore, #tpu.memory_space<semaphore_mem>>) src(%dma_wait3A_83 : memref<120xi32, #tpu.memory_space<hbm>>) dst(%arg9 : memref<120xi32, #tpu.memory_space<vmem>>)
        tpu.yield
      }) : () -> ()
      %dma_start3A_73 = arith.constant 0 : i32
      %dma_start3A_74 = arith.constant 0 : i32
      %dma_start3A_75 = tpu.memref_slice %arg2[%dma_start3A_73, %dma_start3A_74] : memref<10000x128xf32, #tpu.memory_space<hbm>> -> memref<10000x128xf32, #tpu.memory_space<hbm>>
      tpu.enqueue_indirect_dma source(%dma_start3A_75 : memref<10000x128xf32, #tpu.memory_space<hbm>>) target(%arg12 : memref<120x128xf32, #tpu.memory_space<vmem>>) offsets(%arg8 : memref<120xi32, #tpu.memory_space<vmem>>) semaphore(%arg15 : memref<!tpu.dma_semaphore, #tpu.memory_space<semaphore_mem>>)
      %dma_start3A_76 = arith.constant 0 : i32
      %dma_start3A_77 = arith.constant 0 : i32
      %dma_start3A_78 = tpu.memref_slice %arg7[%dma_start3A_76, %dma_start3A_77] : memref<10240x128xf32, #tpu.memory_space<vmem_shared>> -> memref<10240x128xf32, #tpu.memory_space<vmem_shared>>
      tpu.enqueue_indirect_dma source(%arg13 : memref<120x128xf32, #tpu.memory_space<vmem>>) target(%dma_start3A_78 : memref<10240x128xf32, #tpu.memory_space<vmem_shared>>) offsets(%arg11 : memref<120xi32, #tpu.memory_space<vmem>>) semaphore(%arg18 : memref<!tpu.dma_semaphore, #tpu.memory_space<semaphore_mem>>) {add = true}
      %scan3A_79 = arith.constant 0 : i32
      scf.yield %scan3A_79 : i32
    }
    %scan3A_19 = arith.constant 42 : i32
    %dma_wait3A = arith.constant 0 : i32
    %dma_wait3A_20 = arith.constant 0 : i32
    %dma_wait3A_21 = tpu.memref_slice %arg2[%dma_wait3A, %dma_wait3A_20] : memref<10000x128xf32, #tpu.memory_space<hbm>> -> memref<10000x128xf32, #tpu.memory_space<hbm>>
    tpu.wait_indirect_dma semaphore(%arg15 : memref<!tpu.dma_semaphore, #tpu.memory_space<semaphore_mem>>) src(%dma_wait3A_21 : memref<10000x128xf32, #tpu.memory_space<hbm>>) dst(%arg12 : memref<120x128xf32, #tpu.memory_space<vmem>>)
    %dma_wait3A_22 = arith.constant 0 : i32
    %dma_wait3A_23 = arith.constant 0 : i32
    %dma_wait3A_24 = tpu.memref_slice %arg7[%dma_wait3A_22, %dma_wait3A_23] : memref<10240x128xf32, #tpu.memory_space<vmem_shared>> -> memref<10240x128xf32, #tpu.memory_space<vmem_shared>>
    tpu.wait_indirect_dma semaphore(%arg18 : memref<!tpu.dma_semaphore, #tpu.memory_space<semaphore_mem>>) src(%arg13 : memref<120x128xf32, #tpu.memory_space<vmem>>) dst(%dma_wait3A_24 : memref<10240x128xf32, #tpu.memory_space<vmem_shared>>)
    %barrier3A_25 = arith.constant 0 : index
    tpu.barrier barrier_id(%barrier3A_25)
    %scan3A_26 = arith.constant 0 : i32
    %scan3A_27 = arith.constant 0 : i32
    %scan3A_28 = arith.constant 40 : i32
    %scan3A_29 = arith.addi %scan3A_27, %scan3A_28 : i32
    %scan3A_30 = arith.constant 1 : i32
    %scan3A_31 = scf.for %scan3A_33 = %scan3A_27 to %scan3A_29 step %scan3A_30 iter_args(%scan3A_34 = %scan3A_26) -> (i32)  : i32 {
      %mul3A_35 = arith.constant 16 : i32
      %mul3A_36 = arith.muli %scan3A_33, %mul3A_35 : i32
      %add3A_37 = arith.addi %mul3A_2, %mul3A_36 : i32
      "tpu.region"() ({
        %run_scoped3A = tpu.sem_alloc : memref<!tpu.dma_semaphore, #tpu.memory_space<semaphore_mem>>
        %dma_start3A_42 = arith.constant 0 : i32
        %dma_start3A_43 = tpu.memref_slice %arg7[%add3A_37, %dma_start3A_42] : memref<10240x128xf32, #tpu.memory_space<vmem_shared>> -> memref<16x128xf32, #tpu.memory_space<vmem_shared>>
        %dma_start3A_44 = arith.constant 0 : i32
        %dma_start3A_45 = tpu.memref_slice %arg7[%add3A_37, %dma_start3A_44] : memref<10240x128xf32, #tpu.memory_space<vmem_shared>> -> memref<16x128xf32, #tpu.memory_space<vmem_shared>>
        tpu.enqueue_dma source(%dma_start3A_45 : memref<16x128xf32, #tpu.memory_space<vmem_shared>>) target(%arg14 : memref<16x128xf32, #tpu.memory_space<vmem>>) target_semaphore(%run_scoped3A : memref<!tpu.dma_semaphore, #tpu.memory_space<semaphore_mem>>)
        %dma_wait3A_46 = arith.constant 0 : i32
        %dma_wait3A_47 = tpu.memref_slice %arg7[%add3A_37, %dma_wait3A_46] : memref<10240x128xf32, #tpu.memory_space<vmem_shared>> -> memref<16x128xf32, #tpu.memory_space<vmem_shared>>
        %dma_wait3A_48 = arith.constant 0 : i32
        %dma_wait3A_49 = tpu.memref_slice %arg7[%add3A_37, %dma_wait3A_48] : memref<10240x128xf32, #tpu.memory_space<vmem_shared>> -> memref<16x128xf32, #tpu.memory_space<vmem_shared>>
        tpu.wait_dma2 semaphore(%run_scoped3A : memref<!tpu.dma_semaphore, #tpu.memory_space<semaphore_mem>>) src(%dma_wait3A_49 : memref<16x128xf32, #tpu.memory_space<vmem_shared>>) dst(%arg14 : memref<16x128xf32, #tpu.memory_space<vmem>>)
        tpu.yield
      }) : () -> ()
      %mul3A_38 = arith.constant 16 : i32
      %mul3A_39 = arith.muli %scan3A_33, %mul3A_38 : i32
      %add3A_40 = arith.addi %mul3A_2, %mul3A_39 : i32
      "tpu.region"() ({
        %run_scoped3A = tpu.sem_alloc : memref<!tpu.dma_semaphore, #tpu.memory_space<semaphore_mem>>
        %dma_start3A_42 = arith.constant 0 : i32
        %dma_start3A_43 = tpu.memref_slice %arg6[%arg0, %add3A_40, %dma_start3A_42] : memref<2x10240x128xf32, #tpu.memory_space<hbm>> -> memref<1x16x128xf32, #tpu.memory_space<hbm>>
        %dma_start3A_44 = tpu.memref_squeeze %dma_start3A_43 : memref<1x16x128xf32, #tpu.memory_space<hbm>> -> memref<16x128xf32, #tpu.memory_space<hbm>>
        %dma_start3A_45 = arith.constant 0 : i32
        %dma_start3A_46 = tpu.memref_slice %arg6[%arg0, %add3A_40, %dma_start3A_45] : memref<2x10240x128xf32, #tpu.memory_space<hbm>> -> memref<1x16x128xf32, #tpu.memory_space<hbm>>
        %dma_start3A_47 = tpu.memref_squeeze %dma_start3A_46 : memref<1x16x128xf32, #tpu.memory_space<hbm>> -> memref<16x128xf32, #tpu.memory_space<hbm>>
        tpu.enqueue_dma source(%arg14 : memref<16x128xf32, #tpu.memory_space<vmem>>) target(%dma_start3A_47 : memref<16x128xf32, #tpu.memory_space<hbm>>) target_semaphore(%run_scoped3A : memref<!tpu.dma_semaphore, #tpu.memory_space<semaphore_mem>>)
        %dma_wait3A_48 = arith.constant 0 : i32
        %dma_wait3A_49 = tpu.memref_slice %arg6[%arg0, %add3A_40, %dma_wait3A_48] : memref<2x10240x128xf32, #tpu.memory_space<hbm>> -> memref<1x16x128xf32, #tpu.memory_space<hbm>>
        %dma_wait3A_50 = tpu.memref_squeeze %dma_wait3A_49 : memref<1x16x128xf32, #tpu.memory_space<hbm>> -> memref<16x128xf32, #tpu.memory_space<hbm>>
        %dma_wait3A_51 = arith.constant 0 : i32
        %dma_wait3A_52 = tpu.memref_slice %arg6[%arg0, %add3A_40, %dma_wait3A_51] : memref<2x10240x128xf32, #tpu.memory_space<hbm>> -> memref<1x16x128xf32, #tpu.memory_space<hbm>>
        %dma_wait3A_53 = tpu.memref_squeeze %dma_wait3A_52 : memref<1x16x128xf32, #tpu.memory_space<hbm>> -> memref<16x128xf32, #tpu.memory_space<hbm>>
        tpu.wait_dma2 semaphore(%run_scoped3A : memref<!tpu.dma_semaphore, #tpu.memory_space<semaphore_mem>>) src(%arg14 : memref<16x128xf32, #tpu.memory_space<vmem>>) dst(%dma_wait3A_53 : memref<16x128xf32, #tpu.memory_space<hbm>>)
        tpu.yield
      }) : () -> ()
      %scan3A_41 = arith.constant 0 : i32
      scf.yield %scan3A_41 : i32
    }
    %scan3A_32 = arith.constant 40 : i32
    return
  }
}

#map = affine_map<(d0, d1) -> (0)>
#map1 = affine_map<(d0, d1) -> (0, 0)>
#map2 = affine_map<(d0, d1) -> (0, 0, 0)>
module attributes {stable_mosaic.version = 14 : i64} {
  func.func @body(%arg0: i32, %arg1: i32, %arg2: memref<322560xi32, #tpu.memory_space<hbm>>, %arg3: memref<16x128xf32, #tpu.memory_space<hbm>>, %arg4: memref<112x128xf32, #tpu.memory_space<hbm>>, %arg5: memref<2x10240x128xf32, #tpu.memory_space<hbm>>, %arg6: memref<10240x128xf32, #tpu.memory_space<vmem_shared>>, %arg7: memref<112xi32, #tpu.memory_space<vmem>>, %arg8: memref<112xi32, #tpu.memory_space<vmem>>, %arg9: memref<112x128xf32, #tpu.memory_space<vmem>>, %arg10: memref<16x128xf32, #tpu.memory_space<vmem>>, %arg11: memref<!tpu.dma_semaphore, #tpu.memory_space<semaphore_mem>>, %arg12: memref<!tpu.dma_semaphore, #tpu.memory_space<semaphore_mem>>, %arg13: memref<!tpu.dma_semaphore, #tpu.memory_space<semaphore_mem>>, %arg14: memref<!tpu.dma_semaphore, #tpu.memory_space<semaphore_mem>>) attributes {dimension_semantics = [#tpu.dimension_semantics<core_parallel>, #tpu.dimension_semantics<subcore_parallel>], iteration_bounds = array<i64: 2, 16>, scalar_prefetch = 0 : i64, scratch_operands = 9 : i64, tpu.core_type = #tpu.core_type<sc_vector_subcore>, window_params = [{transform_indices = #map}, {transform_indices = #map1}, {transform_indices = #map1}, {transform_indices = #map2}]} {
    %mul3A = arith.constant 2 : i32
    %mul3A_0 = arith.muli %arg1, %mul3A : i32
    %add3A = arith.addi %mul3A_0, %arg0 : i32
    %mul3A_1 = arith.constant 640 : i32
    %mul3A_2 = arith.muli %arg1, %mul3A_1 : i32
    "tpu.region"() ({
      %run_scoped3A = tpu.sem_alloc : memref<!tpu.dma_semaphore, #tpu.memory_space<semaphore_mem>>
      tpu.enqueue_dma source(%arg3 : memref<16x128xf32, #tpu.memory_space<hbm>>) target(%arg10 : memref<16x128xf32, #tpu.memory_space<vmem>>) target_semaphore(%run_scoped3A : memref<!tpu.dma_semaphore, #tpu.memory_space<semaphore_mem>>)
      tpu.wait_dma2 semaphore(%run_scoped3A : memref<!tpu.dma_semaphore, #tpu.memory_space<semaphore_mem>>) src(%arg3 : memref<16x128xf32, #tpu.memory_space<hbm>>) dst(%arg10 : memref<16x128xf32, #tpu.memory_space<vmem>>)
      tpu.yield
    }) : () -> ()
    %scan3A = arith.constant 0 : i32
    %scan3A_3 = arith.constant 0 : i32
    %scan3A_4 = arith.constant 40 : i32
    %scan3A_5 = arith.addi %scan3A_3, %scan3A_4 : i32
    %scan3A_6 = arith.constant 1 : i32
    %scan3A_7 = scf.for %scan3A_33 = %scan3A_3 to %scan3A_5 step %scan3A_6 iter_args(%scan3A_34 = %scan3A) -> (i32)  : i32 {
      %mul3A_35 = arith.constant 16 : i32
      %mul3A_36 = arith.muli %scan3A_33, %mul3A_35 : i32
      %add3A_37 = arith.addi %mul3A_2, %mul3A_36 : i32
      "tpu.region"() ({
        %run_scoped3A = tpu.sem_alloc : memref<!tpu.dma_semaphore, #tpu.memory_space<semaphore_mem>>
        %dma_start3A_39 = arith.constant 0 : i32
        %dma_start3A_40 = tpu.memref_slice %arg6[%add3A_37, %dma_start3A_39] : memref<10240x128xf32, #tpu.memory_space<vmem_shared>> -> memref<16x128xf32, #tpu.memory_space<vmem_shared>>
        %dma_start3A_41 = arith.constant 0 : i32
        %dma_start3A_42 = tpu.memref_slice %arg6[%add3A_37, %dma_start3A_41] : memref<10240x128xf32, #tpu.memory_space<vmem_shared>> -> memref<16x128xf32, #tpu.memory_space<vmem_shared>>
        tpu.enqueue_dma source(%arg10 : memref<16x128xf32, #tpu.memory_space<vmem>>) target(%dma_start3A_42 : memref<16x128xf32, #tpu.memory_space<vmem_shared>>) target_semaphore(%run_scoped3A : memref<!tpu.dma_semaphore, #tpu.memory_space<semaphore_mem>>)
        %dma_wait3A_43 = arith.constant 0 : i32
        %dma_wait3A_44 = tpu.memref_slice %arg6[%add3A_37, %dma_wait3A_43] : memref<10240x128xf32, #tpu.memory_space<vmem_shared>> -> memref<16x128xf32, #tpu.memory_space<vmem_shared>>
        %dma_wait3A_45 = arith.constant 0 : i32
        %dma_wait3A_46 = tpu.memref_slice %arg6[%add3A_37, %dma_wait3A_45] : memref<10240x128xf32, #tpu.memory_space<vmem_shared>> -> memref<16x128xf32, #tpu.memory_space<vmem_shared>>
        tpu.wait_dma2 semaphore(%run_scoped3A : memref<!tpu.dma_semaphore, #tpu.memory_space<semaphore_mem>>) src(%arg10 : memref<16x128xf32, #tpu.memory_space<vmem>>) dst(%dma_wait3A_46 : memref<16x128xf32, #tpu.memory_space<vmem_shared>>)
        tpu.yield
      }) : () -> ()
      %scan3A_38 = arith.constant 0 : i32
      scf.yield %scan3A_38 : i32
    }
    %scan3A_8 = arith.constant 40 : i32
    "tpu.region"() ({
      %run_scoped3A = tpu.sem_alloc : memref<!tpu.dma_semaphore, #tpu.memory_space<semaphore_mem>>
      tpu.enqueue_dma source(%arg4 : memref<112x128xf32, #tpu.memory_space<hbm>>) target(%arg9 : memref<112x128xf32, #tpu.memory_space<vmem>>) target_semaphore(%run_scoped3A : memref<!tpu.dma_semaphore, #tpu.memory_space<semaphore_mem>>)
      tpu.wait_dma2 semaphore(%run_scoped3A : memref<!tpu.dma_semaphore, #tpu.memory_space<semaphore_mem>>) src(%arg4 : memref<112x128xf32, #tpu.memory_space<hbm>>) dst(%arg9 : memref<112x128xf32, #tpu.memory_space<vmem>>)
      tpu.yield
    }) : () -> ()
    %barrier3A = arith.constant 0 : index
    tpu.barrier barrier_id(%barrier3A)
    %mul3A_9 = arith.constant 10080 : i32
    %mul3A_10 = arith.muli %add3A, %mul3A_9 : i32
    %dma_start3A = tpu.memref_slice %arg2[%mul3A_10] : memref<322560xi32, #tpu.memory_space<hbm>> -> memref<112xi32, #tpu.memory_space<hbm>>
    %dma_start3A_11 = tpu.memref_slice %arg2[%mul3A_10] : memref<322560xi32, #tpu.memory_space<hbm>> -> memref<112xi32, #tpu.memory_space<hbm>>
    tpu.enqueue_dma source(%dma_start3A_11 : memref<112xi32, #tpu.memory_space<hbm>>) target(%arg7 : memref<112xi32, #tpu.memory_space<vmem>>) target_semaphore(%arg11 : memref<!tpu.dma_semaphore, #tpu.memory_space<semaphore_mem>>)
    %scan3A_12 = arith.constant 0 : i32
    %scan3A_13 = arith.constant 0 : i32
    %scan3A_14 = arith.constant 45 : i32
    %scan3A_15 = arith.addi %scan3A_13, %scan3A_14 : i32
    %scan3A_16 = arith.constant 1 : i32
    %scan3A_17 = scf.for %scan3A_33 = %scan3A_13 to %scan3A_15 step %scan3A_16 iter_args(%scan3A_34 = %scan3A_12) -> (i32)  : i32 {
      %mul3A_35 = arith.constant 2 : i32
      %mul3A_36 = arith.muli %mul3A_35, %scan3A_33 : i32
      %dma_wait3A_37 = arith.constant 0 : i32
      %dma_wait3A_38 = tpu.memref_slice %arg2[%dma_wait3A_37] : memref<322560xi32, #tpu.memory_space<hbm>> -> memref<112xi32, #tpu.memory_space<hbm>>
      %dma_wait3A_39 = arith.constant 0 : i32
      %dma_wait3A_40 = tpu.memref_slice %arg2[%dma_wait3A_39] : memref<322560xi32, #tpu.memory_space<hbm>> -> memref<112xi32, #tpu.memory_space<hbm>>
      tpu.wait_dma2 semaphore(%arg11 : memref<!tpu.dma_semaphore, #tpu.memory_space<semaphore_mem>>) src(%dma_wait3A_40 : memref<112xi32, #tpu.memory_space<hbm>>) dst(%arg7 : memref<112xi32, #tpu.memory_space<vmem>>)
      %gt3A = arith.constant 0 : i32
      %gt3A_41 = arith.cmpi sgt, %mul3A_36, %gt3A : i32
      %convert_element_type3A = arith.extui %gt3A_41 : i1 to i32
      %cond3A = arith.constant 0 : i32
      %cond3A_42 = arith.cmpi ne, %convert_element_type3A, %cond3A : i32
      scf.if %cond3A_42 {
        %dma_wait3A_80 = arith.constant 0 : i32
        %dma_wait3A_81 = arith.constant 0 : i32
        %dma_wait3A_82 = tpu.memref_slice %arg6[%dma_wait3A_80, %dma_wait3A_81] : memref<10240x128xf32, #tpu.memory_space<vmem_shared>> -> memref<10240x128xf32, #tpu.memory_space<vmem_shared>>
        tpu.wait_indirect_dma semaphore(%arg14 : memref<!tpu.dma_semaphore, #tpu.memory_space<semaphore_mem>>) src(%arg9 : memref<112x128xf32, #tpu.memory_space<vmem>>) dst(%dma_wait3A_82 : memref<10240x128xf32, #tpu.memory_space<vmem_shared>>)
      } else {
      }
      %add3A_43 = arith.constant 1 : i32
      %add3A_44 = arith.addi %mul3A_36, %add3A_43 : i32
      %min3A = arith.constant 89 : i32
      %min3A_45 = arith.minsi %add3A_44, %min3A : i32
      %mul3A_46 = arith.constant 112 : i32
      %mul3A_47 = arith.muli %min3A_45, %mul3A_46 : i32
      %add3A_48 = arith.addi %mul3A_10, %mul3A_47 : i32
      %dma_start3A_49 = tpu.memref_slice %arg2[%add3A_48] : memref<322560xi32, #tpu.memory_space<hbm>> -> memref<112xi32, #tpu.memory_space<hbm>>
      %dma_start3A_50 = tpu.memref_slice %arg2[%add3A_48] : memref<322560xi32, #tpu.memory_space<hbm>> -> memref<112xi32, #tpu.memory_space<hbm>>
      tpu.enqueue_dma source(%dma_start3A_50 : memref<112xi32, #tpu.memory_space<hbm>>) target(%arg8 : memref<112xi32, #tpu.memory_space<vmem>>) target_semaphore(%arg12 : memref<!tpu.dma_semaphore, #tpu.memory_space<semaphore_mem>>)
      %dma_start3A_51 = arith.constant 0 : i32
      %dma_start3A_52 = arith.constant 0 : i32
      %dma_start3A_53 = tpu.memref_slice %arg6[%dma_start3A_51, %dma_start3A_52] : memref<10240x128xf32, #tpu.memory_space<vmem_shared>> -> memref<10240x128xf32, #tpu.memory_space<vmem_shared>>
      tpu.enqueue_indirect_dma source(%arg9 : memref<112x128xf32, #tpu.memory_space<vmem>>) target(%dma_start3A_53 : memref<10240x128xf32, #tpu.memory_space<vmem_shared>>) offsets(%arg7 : memref<112xi32, #tpu.memory_space<vmem>>) semaphore(%arg13 : memref<!tpu.dma_semaphore, #tpu.memory_space<semaphore_mem>>) {add = true}
      %mul3A_54 = arith.constant 2 : i32
      %mul3A_55 = arith.muli %mul3A_54, %scan3A_33 : i32
      %add3A_56 = arith.constant 1 : i32
      %add3A_57 = arith.addi %mul3A_55, %add3A_56 : i32
      %dma_wait3A_58 = arith.constant 0 : i32
      %dma_wait3A_59 = tpu.memref_slice %arg2[%dma_wait3A_58] : memref<322560xi32, #tpu.memory_space<hbm>> -> memref<112xi32, #tpu.memory_space<hbm>>
      %dma_wait3A_60 = arith.constant 0 : i32
      %dma_wait3A_61 = tpu.memref_slice %arg2[%dma_wait3A_60] : memref<322560xi32, #tpu.memory_space<hbm>> -> memref<112xi32, #tpu.memory_space<hbm>>
      tpu.wait_dma2 semaphore(%arg12 : memref<!tpu.dma_semaphore, #tpu.memory_space<semaphore_mem>>) src(%dma_wait3A_61 : memref<112xi32, #tpu.memory_space<hbm>>) dst(%arg8 : memref<112xi32, #tpu.memory_space<vmem>>)
      %gt3A_62 = arith.constant 0 : i32
      %gt3A_63 = arith.cmpi sgt, %add3A_57, %gt3A_62 : i32
      %convert_element_type3A_64 = arith.extui %gt3A_63 : i1 to i32
      %cond3A_65 = arith.constant 0 : i32
      %cond3A_66 = arith.cmpi ne, %convert_element_type3A_64, %cond3A_65 : i32
      scf.if %cond3A_66 {
        %dma_wait3A_80 = arith.constant 0 : i32
        %dma_wait3A_81 = arith.constant 0 : i32
        %dma_wait3A_82 = tpu.memref_slice %arg6[%dma_wait3A_80, %dma_wait3A_81] : memref<10240x128xf32, #tpu.memory_space<vmem_shared>> -> memref<10240x128xf32, #tpu.memory_space<vmem_shared>>
        tpu.wait_indirect_dma semaphore(%arg13 : memref<!tpu.dma_semaphore, #tpu.memory_space<semaphore_mem>>) src(%arg9 : memref<112x128xf32, #tpu.memory_space<vmem>>) dst(%dma_wait3A_82 : memref<10240x128xf32, #tpu.memory_space<vmem_shared>>)
      } else {
      }
      %add3A_67 = arith.constant 1 : i32
      %add3A_68 = arith.addi %add3A_57, %add3A_67 : i32
      %min3A_69 = arith.constant 89 : i32
      %min3A_70 = arith.minsi %add3A_68, %min3A_69 : i32
      %mul3A_71 = arith.constant 112 : i32
      %mul3A_72 = arith.muli %min3A_70, %mul3A_71 : i32
      %add3A_73 = arith.addi %mul3A_10, %mul3A_72 : i32
      %dma_start3A_74 = tpu.memref_slice %arg2[%add3A_73] : memref<322560xi32, #tpu.memory_space<hbm>> -> memref<112xi32, #tpu.memory_space<hbm>>
      %dma_start3A_75 = tpu.memref_slice %arg2[%add3A_73] : memref<322560xi32, #tpu.memory_space<hbm>> -> memref<112xi32, #tpu.memory_space<hbm>>
      tpu.enqueue_dma source(%dma_start3A_75 : memref<112xi32, #tpu.memory_space<hbm>>) target(%arg7 : memref<112xi32, #tpu.memory_space<vmem>>) target_semaphore(%arg11 : memref<!tpu.dma_semaphore, #tpu.memory_space<semaphore_mem>>)
      %dma_start3A_76 = arith.constant 0 : i32
      %dma_start3A_77 = arith.constant 0 : i32
      %dma_start3A_78 = tpu.memref_slice %arg6[%dma_start3A_76, %dma_start3A_77] : memref<10240x128xf32, #tpu.memory_space<vmem_shared>> -> memref<10240x128xf32, #tpu.memory_space<vmem_shared>>
      tpu.enqueue_indirect_dma source(%arg9 : memref<112x128xf32, #tpu.memory_space<vmem>>) target(%dma_start3A_78 : memref<10240x128xf32, #tpu.memory_space<vmem_shared>>) offsets(%arg8 : memref<112xi32, #tpu.memory_space<vmem>>) semaphore(%arg14 : memref<!tpu.dma_semaphore, #tpu.memory_space<semaphore_mem>>) {add = true}
      %scan3A_79 = arith.constant 0 : i32
      scf.yield %scan3A_79 : i32
    }
    %scan3A_18 = arith.constant 45 : i32
    %dma_wait3A = arith.constant 0 : i32
    %dma_wait3A_19 = tpu.memref_slice %arg2[%dma_wait3A] : memref<322560xi32, #tpu.memory_space<hbm>> -> memref<112xi32, #tpu.memory_space<hbm>>
    %dma_wait3A_20 = arith.constant 0 : i32
    %dma_wait3A_21 = tpu.memref_slice %arg2[%dma_wait3A_20] : memref<322560xi32, #tpu.memory_space<hbm>> -> memref<112xi32, #tpu.memory_space<hbm>>
    tpu.wait_dma2 semaphore(%arg11 : memref<!tpu.dma_semaphore, #tpu.memory_space<semaphore_mem>>) src(%dma_wait3A_21 : memref<112xi32, #tpu.memory_space<hbm>>) dst(%arg7 : memref<112xi32, #tpu.memory_space<vmem>>)
    %dma_wait3A_22 = arith.constant 0 : i32
    %dma_wait3A_23 = arith.constant 0 : i32
    %dma_wait3A_24 = tpu.memref_slice %arg6[%dma_wait3A_22, %dma_wait3A_23] : memref<10240x128xf32, #tpu.memory_space<vmem_shared>> -> memref<10240x128xf32, #tpu.memory_space<vmem_shared>>
    tpu.wait_indirect_dma semaphore(%arg14 : memref<!tpu.dma_semaphore, #tpu.memory_space<semaphore_mem>>) src(%arg9 : memref<112x128xf32, #tpu.memory_space<vmem>>) dst(%dma_wait3A_24 : memref<10240x128xf32, #tpu.memory_space<vmem_shared>>)
    %barrier3A_25 = arith.constant 0 : index
    tpu.barrier barrier_id(%barrier3A_25)
    %scan3A_26 = arith.constant 0 : i32
    %scan3A_27 = arith.constant 0 : i32
    %scan3A_28 = arith.constant 40 : i32
    %scan3A_29 = arith.addi %scan3A_27, %scan3A_28 : i32
    %scan3A_30 = arith.constant 1 : i32
    %scan3A_31 = scf.for %scan3A_33 = %scan3A_27 to %scan3A_29 step %scan3A_30 iter_args(%scan3A_34 = %scan3A_26) -> (i32)  : i32 {
      %mul3A_35 = arith.constant 16 : i32
      %mul3A_36 = arith.muli %scan3A_33, %mul3A_35 : i32
      %add3A_37 = arith.addi %mul3A_2, %mul3A_36 : i32
      "tpu.region"() ({
        %run_scoped3A = tpu.sem_alloc : memref<!tpu.dma_semaphore, #tpu.memory_space<semaphore_mem>>
        %dma_start3A_42 = arith.constant 0 : i32
        %dma_start3A_43 = tpu.memref_slice %arg6[%add3A_37, %dma_start3A_42] : memref<10240x128xf32, #tpu.memory_space<vmem_shared>> -> memref<16x128xf32, #tpu.memory_space<vmem_shared>>
        %dma_start3A_44 = arith.constant 0 : i32
        %dma_start3A_45 = tpu.memref_slice %arg6[%add3A_37, %dma_start3A_44] : memref<10240x128xf32, #tpu.memory_space<vmem_shared>> -> memref<16x128xf32, #tpu.memory_space<vmem_shared>>
        tpu.enqueue_dma source(%dma_start3A_45 : memref<16x128xf32, #tpu.memory_space<vmem_shared>>) target(%arg10 : memref<16x128xf32, #tpu.memory_space<vmem>>) target_semaphore(%run_scoped3A : memref<!tpu.dma_semaphore, #tpu.memory_space<semaphore_mem>>)
        %dma_wait3A_46 = arith.constant 0 : i32
        %dma_wait3A_47 = tpu.memref_slice %arg6[%add3A_37, %dma_wait3A_46] : memref<10240x128xf32, #tpu.memory_space<vmem_shared>> -> memref<16x128xf32, #tpu.memory_space<vmem_shared>>
        %dma_wait3A_48 = arith.constant 0 : i32
        %dma_wait3A_49 = tpu.memref_slice %arg6[%add3A_37, %dma_wait3A_48] : memref<10240x128xf32, #tpu.memory_space<vmem_shared>> -> memref<16x128xf32, #tpu.memory_space<vmem_shared>>
        tpu.wait_dma2 semaphore(%run_scoped3A : memref<!tpu.dma_semaphore, #tpu.memory_space<semaphore_mem>>) src(%dma_wait3A_49 : memref<16x128xf32, #tpu.memory_space<vmem_shared>>) dst(%arg10 : memref<16x128xf32, #tpu.memory_space<vmem>>)
        tpu.yield
      }) : () -> ()
      %mul3A_38 = arith.constant 16 : i32
      %mul3A_39 = arith.muli %scan3A_33, %mul3A_38 : i32
      %add3A_40 = arith.addi %mul3A_2, %mul3A_39 : i32
      "tpu.region"() ({
        %run_scoped3A = tpu.sem_alloc : memref<!tpu.dma_semaphore, #tpu.memory_space<semaphore_mem>>
        %dma_start3A_42 = arith.constant 0 : i32
        %dma_start3A_43 = tpu.memref_slice %arg5[%arg0, %add3A_40, %dma_start3A_42] : memref<2x10240x128xf32, #tpu.memory_space<hbm>> -> memref<1x16x128xf32, #tpu.memory_space<hbm>>
        %dma_start3A_44 = tpu.memref_squeeze %dma_start3A_43 : memref<1x16x128xf32, #tpu.memory_space<hbm>> -> memref<16x128xf32, #tpu.memory_space<hbm>>
        %dma_start3A_45 = arith.constant 0 : i32
        %dma_start3A_46 = tpu.memref_slice %arg5[%arg0, %add3A_40, %dma_start3A_45] : memref<2x10240x128xf32, #tpu.memory_space<hbm>> -> memref<1x16x128xf32, #tpu.memory_space<hbm>>
        %dma_start3A_47 = tpu.memref_squeeze %dma_start3A_46 : memref<1x16x128xf32, #tpu.memory_space<hbm>> -> memref<16x128xf32, #tpu.memory_space<hbm>>
        tpu.enqueue_dma source(%arg10 : memref<16x128xf32, #tpu.memory_space<vmem>>) target(%dma_start3A_47 : memref<16x128xf32, #tpu.memory_space<hbm>>) target_semaphore(%run_scoped3A : memref<!tpu.dma_semaphore, #tpu.memory_space<semaphore_mem>>)
        %dma_wait3A_48 = arith.constant 0 : i32
        %dma_wait3A_49 = tpu.memref_slice %arg5[%arg0, %add3A_40, %dma_wait3A_48] : memref<2x10240x128xf32, #tpu.memory_space<hbm>> -> memref<1x16x128xf32, #tpu.memory_space<hbm>>
        %dma_wait3A_50 = tpu.memref_squeeze %dma_wait3A_49 : memref<1x16x128xf32, #tpu.memory_space<hbm>> -> memref<16x128xf32, #tpu.memory_space<hbm>>
        %dma_wait3A_51 = arith.constant 0 : i32
        %dma_wait3A_52 = tpu.memref_slice %arg5[%arg0, %add3A_40, %dma_wait3A_51] : memref<2x10240x128xf32, #tpu.memory_space<hbm>> -> memref<1x16x128xf32, #tpu.memory_space<hbm>>
        %dma_wait3A_53 = tpu.memref_squeeze %dma_wait3A_52 : memref<1x16x128xf32, #tpu.memory_space<hbm>> -> memref<16x128xf32, #tpu.memory_space<hbm>>
        tpu.wait_dma2 semaphore(%run_scoped3A : memref<!tpu.dma_semaphore, #tpu.memory_space<semaphore_mem>>) src(%arg10 : memref<16x128xf32, #tpu.memory_space<vmem>>) dst(%dma_wait3A_53 : memref<16x128xf32, #tpu.memory_space<hbm>>)
        tpu.yield
      }) : () -> ()
      %scan3A_41 = arith.constant 0 : i32
      scf.yield %scan3A_41 : i32
    }
    %scan3A_32 = arith.constant 40 : i32
    return
  }
}

module attributes {stable_mosaic.version = 14 : i64} {
  func.func @body(%arg0: i32, %arg1: memref<2000x128xf32, #tpu.memory_space<vmem>>, %arg2: memref<2000x128xf32, #tpu.memory_space<vmem>>, %arg3: memref<2000x128xf32, #tpu.memory_space<vmem>>, %arg4: memref<2000x128xf32, #tpu.memory_space<vmem>>, %arg5: memref<2000x128xf32, #tpu.memory_space<vmem>>, %arg6: memref<128x128xf32, #tpu.memory_space<vmem>>, %arg7: memref<128x128xf32, #tpu.memory_space<vmem>>, %arg8: memref<1x128xf32, #tpu.memory_space<vmem>>, %arg9: memref<2000x128xf32, #tpu.memory_space<vmem>>) attributes {dimension_semantics = [#tpu.dimension_semantics<arbitrary>], iteration_bounds = array<i64: 5>, scalar_prefetch = 0 : i64, scratch_operands = 0 : i64, tpu.core_type = #tpu.core_type<tc>, window_params = [{transform_indices = @transform_0, window_bounds = array<i64: 2000, 128>}, {transform_indices = @transform_1, window_bounds = array<i64: 2000, 128>}, {transform_indices = @transform_2, window_bounds = array<i64: 2000, 128>}, {transform_indices = @transform_3, window_bounds = array<i64: 2000, 128>}, {transform_indices = @transform_4, window_bounds = array<i64: 2000, 128>}, {pipeline_mode = #tpu.pipeline_mode<synchronous>, transform_indices = @transform_5, window_bounds = array<i64: 128, 128>}, {pipeline_mode = #tpu.pipeline_mode<synchronous>, transform_indices = @transform_6, window_bounds = array<i64: 128, 128>}, {pipeline_mode = #tpu.pipeline_mode<synchronous>, transform_indices = @transform_7, window_bounds = array<i64: 1, 128>}, {transform_indices = @transform_8, window_bounds = array<i64: 2000, 128>}]} {
    %get3A = arith.constant 0 : index
    %get3A_0 = arith.constant 0 : index
    %get3A_1 = vector.load %arg4[%get3A, %get3A_0] : memref<2000x128xf32, #tpu.memory_space<vmem>>, vector<2000x1xf32>
    %get3A_2 = arith.constant 0 : index
    %get3A_3 = arith.constant 0 : index
    %get3A_4 = vector.load %arg5[%get3A_2, %get3A_3] : memref<2000x128xf32, #tpu.memory_space<vmem>>, vector<2000x1xf32>
    %add3A = arith.addf %get3A_1, %get3A_4 : vector<2000x1xf32>
    %max3A = arith.constant 1.000000e+00 : f32
    %max3A_5 = vector.broadcast %max3A : f32 to vector<2000x1xf32>
    %max3A_6 = arith.maximumf %add3A, %max3A_5 : vector<2000x1xf32>
    %get3A_7 = arith.constant 0 : index
    %get3A_8 = arith.constant 0 : index
    %get3A_9 = vector.load %arg2[%get3A_7, %get3A_8] : memref<2000x128xf32, #tpu.memory_space<vmem>>, vector<2000x128xf32>
    %get3A_10 = arith.constant 0 : index
    %get3A_11 = arith.constant 0 : index
    %get3A_12 = vector.load %arg3[%get3A_10, %get3A_11] : memref<2000x128xf32, #tpu.memory_space<vmem>>, vector<2000x128xf32>
    %add3A_13 = arith.addf %get3A_9, %get3A_12 : vector<2000x128xf32>
    %div3A = vector.broadcast %max3A_6 : vector<2000x1xf32> to vector<2000x128xf32>
    %div3A_14 = arith.divf %add3A_13, %div3A : vector<2000x128xf32>
    %get3A_15 = arith.constant 0 : index
    %get3A_16 = arith.constant 0 : index
    %get3A_17 = vector.load %arg1[%get3A_15, %get3A_16] : memref<2000x128xf32, #tpu.memory_space<vmem>>, vector<2000x128xf32>
    %get3A_18 = arith.constant 0 : index
    %get3A_19 = arith.constant 0 : index
    %get3A_20 = vector.load %arg6[%get3A_18, %get3A_19] : memref<128x128xf32, #tpu.memory_space<vmem>>, vector<128x128xf32>
    %dot_general3A = arith.constant dense<0.000000e+00> : vector<2000x128xf32>
    %dot_general3A_21 = tpu.matmul %get3A_17, %get3A_20, %dot_general3A {dimension_numbers = #tpu.dot_dimension_numbers<[1], [0], [0], [1], [0, 0, 1, 1], [], []>, precision = #tpu.contract_precision<fp32>, transpose_lhs_hint = false} : vector<2000x128xf32>, vector<128x128xf32>, vector<2000x128xf32> -> vector<2000x128xf32>
    %get3A_22 = arith.constant 0 : index
    %get3A_23 = arith.constant 0 : index
    %get3A_24 = vector.load %arg7[%get3A_22, %get3A_23] : memref<128x128xf32, #tpu.memory_space<vmem>>, vector<128x128xf32>
    %dot_general3A_25 = arith.constant dense<0.000000e+00> : vector<2000x128xf32>
    %dot_general3A_26 = tpu.matmul %div3A_14, %get3A_24, %dot_general3A_25 {dimension_numbers = #tpu.dot_dimension_numbers<[1], [0], [0], [1], [0, 0, 1, 1], [], []>, precision = #tpu.contract_precision<fp32>, transpose_lhs_hint = false} : vector<2000x128xf32>, vector<128x128xf32>, vector<2000x128xf32> -> vector<2000x128xf32>
    %add3A_27 = arith.addf %dot_general3A_21, %dot_general3A_26 : vector<2000x128xf32>
    %get3A_28 = arith.constant 0 : index
    %get3A_29 = arith.constant 0 : index
    %get3A_30 = vector.load %arg8[%get3A_28, %get3A_29] : memref<1x128xf32, #tpu.memory_space<vmem>>, vector<1x128xf32>
    %add3A_31 = vector.broadcast %get3A_30 : vector<1x128xf32> to vector<2000x128xf32>
    %add3A_32 = arith.addf %add3A_27, %add3A_31 : vector<2000x128xf32>
    %max3A_33 = arith.constant 0.000000e+00 : f32
    %max3A_34 = vector.broadcast %max3A_33 : f32 to vector<2000x128xf32>
    %max3A_35 = arith.maximumf %add3A_32, %max3A_34 : vector<2000x128xf32>
    %swap3A = arith.constant 0 : index
    %swap3A_36 = arith.constant 0 : index
    %swap3A_37 = vector.load %arg9[%swap3A, %swap3A_36] : memref<2000x128xf32, #tpu.memory_space<vmem>>, vector<2000x128xf32>
    tpu.vector_store %arg9[%swap3A, %swap3A_36], %max3A_35 {strides = array<i32>} : memref<2000x128xf32, #tpu.memory_space<vmem>>, vector<2000x128xf32>,
    return
  }
  func.func @transform_0(%arg0: i32) -> (i32, i32) {
    %c0_i32 = arith.constant 0 : i32
    %c0_i32_0 = arith.constant 0 : i32
    return %arg0, %c0_i32 : i32, i32
  }
  func.func @transform_1(%arg0: i32) -> (i32, i32) {
    %c0_i32 = arith.constant 0 : i32
    %c0_i32_0 = arith.constant 0 : i32
    return %arg0, %c0_i32 : i32, i32
  }
  func.func @transform_2(%arg0: i32) -> (i32, i32) {
    %c0_i32 = arith.constant 0 : i32
    %c0_i32_0 = arith.constant 0 : i32
    return %arg0, %c0_i32 : i32, i32
  }
  func.func @transform_3(%arg0: i32) -> (i32, i32) {
    %c0_i32 = arith.constant 0 : i32
    %c0_i32_0 = arith.constant 0 : i32
    return %arg0, %c0_i32 : i32, i32
  }
  func.func @transform_4(%arg0: i32) -> (i32, i32) {
    %c0_i32 = arith.constant 0 : i32
    %c0_i32_0 = arith.constant 0 : i32
    return %arg0, %c0_i32 : i32, i32
  }
  func.func @transform_5(%arg0: i32) -> (i32, i32) {
    %c0_i32 = arith.constant 0 : i32
    %c0_i32_0 = arith.constant 0 : i32
    %c0_i32_1 = arith.constant 0 : i32
    return %c0_i32, %c0_i32_0 : i32, i32
  }
  func.func @transform_6(%arg0: i32) -> (i32, i32) {
    %c0_i32 = arith.constant 0 : i32
    %c0_i32_0 = arith.constant 0 : i32
    %c0_i32_1 = arith.constant 0 : i32
    return %c0_i32, %c0_i32_0 : i32, i32
  }
  func.func @transform_7(%arg0: i32) -> (i32, i32) {
    %c0_i32 = arith.constant 0 : i32
    %c0_i32_0 = arith.constant 0 : i32
    %c0_i32_1 = arith.constant 0 : i32
    return %c0_i32, %c0_i32_0 : i32, i32
  }
  func.func @transform_8(%arg0: i32) -> (i32, i32) {
    %c0_i32 = arith.constant 0 : i32
    %c0_i32_0 = arith.constant 0 : i32
    return %arg0, %c0_i32 : i32, i32
  }
}

module attributes {stable_mosaic.version = 14 : i64} {
  func.func @body(%arg0: i32, %arg1: memref<2000x128xf32, #tpu.memory_space<vmem>>, %arg2: memref<2000x128xf32, #tpu.memory_space<vmem>>, %arg3: memref<2000x128xf32, #tpu.memory_space<vmem>>, %arg4: memref<2000x128xf32, #tpu.memory_space<vmem>>, %arg5: memref<2000x128xf32, #tpu.memory_space<vmem>>, %arg6: memref<128x128xf32, #tpu.memory_space<vmem>>, %arg7: memref<128x128xf32, #tpu.memory_space<vmem>>, %arg8: memref<1x128xf32, #tpu.memory_space<vmem>>, %arg9: memref<2000x128xf32, #tpu.memory_space<vmem>>) attributes {dimension_semantics = [#tpu.dimension_semantics<arbitrary>], iteration_bounds = array<i64: 5>, scalar_prefetch = 0 : i64, scratch_operands = 0 : i64, tpu.core_type = #tpu.core_type<tc>, window_params = [{transform_indices = @transform_0, window_bounds = array<i64: 2000, 128>}, {transform_indices = @transform_1, window_bounds = array<i64: 2000, 128>}, {transform_indices = @transform_2, window_bounds = array<i64: 2000, 128>}, {transform_indices = @transform_3, window_bounds = array<i64: 2000, 128>}, {transform_indices = @transform_4, window_bounds = array<i64: 2000, 128>}, {pipeline_mode = #tpu.pipeline_mode<synchronous>, transform_indices = @transform_5, window_bounds = array<i64: 128, 128>}, {pipeline_mode = #tpu.pipeline_mode<synchronous>, transform_indices = @transform_6, window_bounds = array<i64: 128, 128>}, {pipeline_mode = #tpu.pipeline_mode<synchronous>, transform_indices = @transform_7, window_bounds = array<i64: 1, 128>}, {transform_indices = @transform_8, window_bounds = array<i64: 2000, 128>}]} {
    %get3A = arith.constant 0 : index
    %get3A_0 = arith.constant 0 : index
    %get3A_1 = vector.load %arg4[%get3A, %get3A_0] : memref<2000x128xf32, #tpu.memory_space<vmem>>, vector<2000x1xf32>
    %get3A_2 = arith.constant 0 : index
    %get3A_3 = arith.constant 0 : index
    %get3A_4 = vector.load %arg5[%get3A_2, %get3A_3] : memref<2000x128xf32, #tpu.memory_space<vmem>>, vector<2000x1xf32>
    %add3A = arith.addf %get3A_1, %get3A_4 : vector<2000x1xf32>
    %max3A = arith.constant 1.000000e+00 : f32
    %max3A_5 = vector.broadcast %max3A : f32 to vector<2000x1xf32>
    %max3A_6 = arith.maximumf %add3A, %max3A_5 : vector<2000x1xf32>
    %get3A_7 = arith.constant 0 : index
    %get3A_8 = arith.constant 0 : index
    %get3A_9 = vector.load %arg2[%get3A_7, %get3A_8] : memref<2000x128xf32, #tpu.memory_space<vmem>>, vector<2000x128xf32>
    %get3A_10 = arith.constant 0 : index
    %get3A_11 = arith.constant 0 : index
    %get3A_12 = vector.load %arg3[%get3A_10, %get3A_11] : memref<2000x128xf32, #tpu.memory_space<vmem>>, vector<2000x128xf32>
    %add3A_13 = arith.addf %get3A_9, %get3A_12 : vector<2000x128xf32>
    %div3A = vector.broadcast %max3A_6 : vector<2000x1xf32> to vector<2000x128xf32>
    %div3A_14 = arith.divf %add3A_13, %div3A : vector<2000x128xf32>
    %get3A_15 = arith.constant 0 : index
    %get3A_16 = arith.constant 0 : index
    %get3A_17 = vector.load %arg1[%get3A_15, %get3A_16] : memref<2000x128xf32, #tpu.memory_space<vmem>>, vector<2000x128xf32>
    %get3A_18 = arith.constant 0 : index
    %get3A_19 = arith.constant 0 : index
    %get3A_20 = vector.load %arg6[%get3A_18, %get3A_19] : memref<128x128xf32, #tpu.memory_space<vmem>>, vector<128x128xf32>
    %dot_general3A = arith.constant dense<0.000000e+00> : vector<2000x128xf32>
    %dot_general3A_21 = tpu.matmul %get3A_17, %get3A_20, %dot_general3A {dimension_numbers = #tpu.dot_dimension_numbers<[1], [0], [0], [1], [0, 0, 1, 1], [], []>, precision = #tpu.contract_precision<fp32>, transpose_lhs_hint = false} : vector<2000x128xf32>, vector<128x128xf32>, vector<2000x128xf32> -> vector<2000x128xf32>
    %get3A_22 = arith.constant 0 : index
    %get3A_23 = arith.constant 0 : index
    %get3A_24 = vector.load %arg7[%get3A_22, %get3A_23] : memref<128x128xf32, #tpu.memory_space<vmem>>, vector<128x128xf32>
    %dot_general3A_25 = arith.constant dense<0.000000e+00> : vector<2000x128xf32>
    %dot_general3A_26 = tpu.matmul %div3A_14, %get3A_24, %dot_general3A_25 {dimension_numbers = #tpu.dot_dimension_numbers<[1], [0], [0], [1], [0, 0, 1, 1], [], []>, precision = #tpu.contract_precision<fp32>, transpose_lhs_hint = false} : vector<2000x128xf32>, vector<128x128xf32>, vector<2000x128xf32> -> vector<2000x128xf32>
    %add3A_27 = arith.addf %dot_general3A_21, %dot_general3A_26 : vector<2000x128xf32>
    %get3A_28 = arith.constant 0 : index
    %get3A_29 = arith.constant 0 : index
    %get3A_30 = vector.load %arg8[%get3A_28, %get3A_29] : memref<1x128xf32, #tpu.memory_space<vmem>>, vector<1x128xf32>
    %add3A_31 = vector.broadcast %get3A_30 : vector<1x128xf32> to vector<2000x128xf32>
    %add3A_32 = arith.addf %add3A_27, %add3A_31 : vector<2000x128xf32>
    %swap3A = arith.constant 0 : index
    %swap3A_33 = arith.constant 0 : index
    %swap3A_34 = vector.load %arg9[%swap3A, %swap3A_33] : memref<2000x128xf32, #tpu.memory_space<vmem>>, vector<2000x128xf32>
    tpu.vector_store %arg9[%swap3A, %swap3A_33], %add3A_32 {strides = array<i32>} : memref<2000x128xf32, #tpu.memory_space<vmem>>, vector<2000x128xf32>,
    return
  }
  func.func @transform_0(%arg0: i32) -> (i32, i32) {
    %c0_i32 = arith.constant 0 : i32
    %c0_i32_0 = arith.constant 0 : i32
    return %arg0, %c0_i32 : i32, i32
  }
  func.func @transform_1(%arg0: i32) -> (i32, i32) {
    %c0_i32 = arith.constant 0 : i32
    %c0_i32_0 = arith.constant 0 : i32
    return %arg0, %c0_i32 : i32, i32
  }
  func.func @transform_2(%arg0: i32) -> (i32, i32) {
    %c0_i32 = arith.constant 0 : i32
    %c0_i32_0 = arith.constant 0 : i32
    return %arg0, %c0_i32 : i32, i32
  }
  func.func @transform_3(%arg0: i32) -> (i32, i32) {
    %c0_i32 = arith.constant 0 : i32
    %c0_i32_0 = arith.constant 0 : i32
    return %arg0, %c0_i32 : i32, i32
  }
  func.func @transform_4(%arg0: i32) -> (i32, i32) {
    %c0_i32 = arith.constant 0 : i32
    %c0_i32_0 = arith.constant 0 : i32
    return %arg0, %c0_i32 : i32, i32
  }
  func.func @transform_5(%arg0: i32) -> (i32, i32) {
    %c0_i32 = arith.constant 0 : i32
    %c0_i32_0 = arith.constant 0 : i32
    %c0_i32_1 = arith.constant 0 : i32
    return %c0_i32, %c0_i32_0 : i32, i32
  }
  func.func @transform_6(%arg0: i32) -> (i32, i32) {
    %c0_i32 = arith.constant 0 : i32
    %c0_i32_0 = arith.constant 0 : i32
    %c0_i32_1 = arith.constant 0 : i32
    return %c0_i32, %c0_i32_0 : i32, i32
  }
  func.func @transform_7(%arg0: i32) -> (i32, i32) {
    %c0_i32 = arith.constant 0 : i32
    %c0_i32_0 = arith.constant 0 : i32
    %c0_i32_1 = arith.constant 0 : i32
    return %c0_i32, %c0_i32_0 : i32, i32
  }
  func.func @transform_8(%arg0: i32) -> (i32, i32) {
    %c0_i32 = arith.constant 0 : i32
    %c0_i32_0 = arith.constant 0 : i32
    return %arg0, %c0_i32 : i32, i32
  }
}

</mosaic_0001>

<sc_bundles>
// kernel: kernel.10.cloned.1.call-start
scs
__scs_entry_jumppad:
0x0: {  	(pc) =	sbr.rel $0x88, $3  }
0x1: {  	(tag) =	ssettag $0x0;
	lr =	simm.s32 $0x1  }
0x2: {  	[smem:$0x3F99] =	sst lr;
	_ =	strace $0xD0000000  }
0x3: {  	_ = 	snop  }
0x4: {  	_ = 	snop  }
0x5: {  	_ = 	snop  }
0x6: {  	_ = 	snop  }
0x7: {  	_ = 	snop  }
__scs_overlays_trampoline_lowered:
0x8: {  	[smem:$0x3FA8] =	sst s0  }
0x9: {  	[smem:$0x3FA9] =	sst s1  }
0xa: {  	[smem:$0x3FAA] =	sst s2  }
0xb: {  	[smem:$0x3FAB] =	sst s3  }
0xc: {  	[smem:$0x3FAC] =	sst s4  }
0xd: {  	[smem:$0x3FAD] =	sst s5  }
0xe: {  	[smem:$0x3FAE] =	sst s6  }
0xf: {  	[smem:$0x3FAF] =	sst s7  }
0x10: {  	[smem:$0x3FB0] =	sst s8  }
0x11: {  	[smem:$0x3FB1] =	sst s9;
	s0 =	simm.s32 @!p0 $0x0  }
0x12: {  	s1 =	sld [smem:$0x3F97];
	s0 =	simm.s32 @p0 $0x1  }
0x13: {  	[smem:$0x3FB2] =	sst s0;
	s0 =	simm.s32 @!p1 $0x0  }
0x14: {  	s2 =	sld [smem:$0x3F96];
	s0 =	simm.s32 @p1 $0x1  }
0x15: {  	[smem:$0x3FB3] =	sst s0;
	s0 =	simm.s32 @!p2 $0x0  }
0x16: {  	s3 =	sld [smem:$0x3FDB];
	s0 =	simm.s32 @p2 $0x1  }
0x17: {  	s4 =	simm.s32 $0x1BF5;
	[smem:$0x3FB5] =	sst s0  }
0x18: {  	s0 =	sld [smem:$0x3F98];
	_ =	swait.ge [sflag:s4], $0x0  }
0x19: {  	s7 =	sld [smem:$0x3F99]  }
0x1a: {  	s8 =	sadd.s32 $0xFFFFE003, lr  }
0x1b: {  	s9 =	sadd.s32 $0xFFFFFEF7, lr;
	s5 =	simm.s32 $0xFFFFFFFF;
	p2 =	slt.u32 s8, $0xFFFFF086  }
0x1c: {  	p1 =	slt.u32 s9, $0xF7A;
	s5 =	simm.s32 @!p2 $0x0  }
0x1d: {  	s5 =	simm.s32 @p1 $0x1;
	p0 =	seq.s32 s7, s2  }
0x1e: {  	s7 =	smul.u32 @!p0 $0xF7A, s2;
	p2 =	seq.s32 @!p0 s5, $0x0  }
0x1f: {  	s9 =	smul.u32 $0xF7A, s1;
	s8 =	simm.s32 @!p0 $0x1BF5;
	p2 =	por !p2, p0  }
0x20: {  	[sflag:s8] =	ssyncset.s32 @!p0 $0xFFFFF086;
	s6 =	sadd.s32 @!p0 s3, s7;
	s7 =	simm.s32 @!p0 $0x108  }
0x21: {  	s3 =	sadd.s32 s3, s9;
	s6 =	sadd.s32 @!p0 $0x88, s6;
	s7 =	simm.s32 @p2 $0x1082  }
0x22: {  	[simem:s7], [sflag:s8] =	dma.local @!p0 [hbm:s6], $0xF7A  }
0x23: {  	s9 =	sor.u32 $0xD0000000, s2;
	s6 =	simm.s32 $0x108;
	_ =	swait.ge @!p0 [sflag:s8], $0x0  }
0x24: {  	s3 =	sadd.s32 $0x88, s3;
	s6 =	simm.s32 @!p1 $0x1082;
	[sflag:s4] =	ssyncset.s32 $0xFFFFF086  }
0x25: {  	[simem:s6], [sflag:s4] =	dma.local [hbm:s3], $0xF7A  }
0x26: {  	[smem:$0x3F99] =	sst s1;
	(tag) =	ssettag s2;
	_ =	strace s9  }
0x27: {  	s1 =	sld [smem:$0x3FA9]  }
0x28: {  	s2 =	sld [smem:$0x3FAA]  }
0x29: {  	s4 =	sld [smem:$0x3FAC]  }
0x2a: {  	p0 =	seq.s32 s5, $0x0;
	s5 =	sld [smem:$0x3FAD]  }
0x2b: {  	s6 =	sld [smem:$0x3FAE]  }
0x2c: {  	s7 =	sld [smem:$0x3FAF]  }
0x2d: {  	s3 =	simm.s32 $0x108;
	s8 =	sld [smem:$0x3FB0]  }
0x2e: {  	s3 =	simm.s32 @!p0 $0x1082;
	s9 =	sld [smem:$0x3FB1]  }
0x2f: {  	lr =	sadd.s32 s0, s3;
	s0 =	sld [smem:$0x3FA8]  }
0x30: {  	s3 =	sld [smem:$0x3FAB]  }
0x31: {  	[smem:$0x3FB4] =	sst s10  }
0x32: {  	s10 =	sld [smem:$0x3FB2];
	_ =	sdelay $0x3  }
0x33: {  	p0 =	seq.s32 s10, $0x1;
	s10 =	sld [smem:$0x3FB4];
	_ =	sdelay $0x3  }
0x34: {  	[smem:$0x3FB4] =	sst s10  }
0x35: {  	s10 =	sld [smem:$0x3FB3];
	_ =	sdelay $0x3  }
0x36: {  	p1 =	seq.s32 s10, $0x1;
	s10 =	sld [smem:$0x3FB4];
	_ =	sdelay $0x3  }
0x37: {  	[smem:$0x3FB4] =	sst s10  }
0x38: {  	s10 =	sld [smem:$0x3FB5]  }
0x39: {  	_ = 	snop;
	(pc) =	sbr.ind lr, $3  }
0x3a: {  	_ = 	snop  }
0x3b: {  	_ = 	snop  }
0x3c: {  	p2 =	seq.s32 s10, $0x1;
	s10 =	sld [smem:$0x3FB4]  }
0x3d: {  	_ =	shalt  }
0x3e: {  	_ =	shalt  }
0x3f: {  	_ =	shalt  }
0x40: {  	_ =	shalt  }
0x41: {  	_ =	shalt  }
0x42: {  	_ =	shalt  }
0x43: {  	_ =	shalt  }
0x44: {  	_ =	shalt  }
0x45: {  	_ =	shalt  }
0x46: {  	_ =	shalt  }
0x47: {  	_ =	shalt  }
0x48: {  	_ =	shalt  }
0x49: {  	_ =	shalt  }
0x4a: {  	_ =	shalt  }
0x4b: {  	_ =	shalt  }
0x4c: {  	_ =	shalt  }
0x4d: {  	_ =	shalt  }
0x4e: {  	_ =	shalt  }
0x4f: {  	_ =	shalt  }
0x50: {  	_ =	shalt  }
0x51: {  	_ =	shalt  }
0x52: {  	_ =	shalt  }
0x53: {  	_ =	shalt  }
0x54: {  	_ =	shalt  }
0x55: {  	_ =	shalt  }
0x56: {  	_ =	shalt  }
0x57: {  	_ =	shalt  }
0x58: {  	_ =	shalt  }
0x59: {  	_ =	shalt  }
0x5a: {  	_ =	shalt  }
0x5b: {  	_ =	shalt  }
0x5c: {  	_ =	shalt  }
0x5d: {  	_ =	shalt  }
0x5e: {  	_ =	shalt  }
0x5f: {  	_ =	shalt  }
0x60: {  	_ =	shalt  }
0x61: {  	_ =	shalt  }
0x62: {  	_ =	shalt  }
0x63: {  	_ =	shalt  }
0x64: {  	_ =	shalt  }
0x65: {  	_ =	shalt  }
0x66: {  	_ =	shalt  }
0x67: {  	_ =	shalt  }
0x68: {  	_ =	shalt  }
0x69: {  	_ =	shalt  }
0x6a: {  	_ =	shalt  }
0x6b: {  	_ =	shalt  }
0x6c: {  	_ =	shalt  }
0x6d: {  	_ =	shalt  }
0x6e: {  	_ =	shalt  }
0x6f: {  	_ =	shalt  }
0x70: {  	_ =	shalt  }
0x71: {  	_ =	shalt  }
0x72: {  	_ =	shalt  }
0x73: {  	_ =	shalt  }
0x74: {  	_ =	shalt  }
0x75: {  	_ =	shalt  }
0x76: {  	_ =	shalt  }
0x77: {  	_ =	shalt  }
0x78: {  	_ =	shalt  }
0x79: {  	_ =	shalt  }
0x7a: {  	_ =	shalt  }
0x7b: {  	_ =	shalt  }
0x7c: {  	_ =	shalt  }
0x7d: {  	_ =	shalt  }
0x7e: {  	_ =	shalt  }
0x7f: {  	_ =	shalt  }
0x80: {  	_ =	shalt  }
0x81: {  	_ =	shalt  }
0x82: {  	_ =	shalt  }
0x83: {  	_ =	shalt  }
0x84: {  	_ =	shalt  }
0x85: {  	_ =	shalt  }
0x86: {  	_ =	shalt  }
0x87: {  	_ =	shalt  }
.Lfunc_end0:
.L_simem_size_0:
called_computation.1_lowered:
.L_overlay_start_0:
0x88: {  	s2 =	sld [smem:$0x3FD9]  }
0x89: {  	s3 =	sld [smem:$0x3FFE];
	_ =	sdelay $0x1  }
0x8a: {  	s1 =	srdreg.scid  }
0x8b: {  	s0 =	sand.u32 $0x1, s1  }
0x8c: {  	s17 =	sshll.u32 s0, $0xA;
	s2 =	sadd.s32 s3, s2  }
0x8d: {  	s2 =	sadd.s32 s2, s17  }
0x8e: {  	[smem:$0x3FC0] =	sst s2  }
0x8f: {  	_ = 	snop  }
0x90: {  	s2 =	sld [smem:$0x3FC9];
	(tm) =	ssettm $0x1  }
0x91: {  	s18 =	sld [smem:$0x3FFB];
	_ =	sdelay $0x3  }
0x92: {  	_ =	strace s18  }
0x93: {  	s3 =	sld [smem:$0x3FFC];
	_ =	sdelay $0x3  }
0x94: {  	_ =	strace s3  }
0x95: {  	s3 =	sld [smem:$0x3FFD];
	_ =	sdelay $0x3  }
0x96: {  	_ =	strace s3  }
0x97: {  	_ =	strace $0x8FFFFFFF  }
0x98: {  	s19 =	sld [smem:$0x3FDB];
	_ =	sdelay $0x1  }
0x99: {  	s4 =	simm.s32 $_scs_section_size  }
0x9a: {  	s5 =	simm.s32 $_size__tile_overlayer_lowered;
	s6 =	simm.s32 $_tile_overlayer_lowered  }
0x9b: {  	s22 =	simm.s32 $0x1BFF;
	s21 =	sshll.u32 s6, $0x1;
	s3 =	sadd.s32 s4, s19  }
0x9c: {  	s7 =	simm.s32 $0x0;
	s20 =	sshll.u32 s5, $0x1;
	s5 =	sadd.s32 s21, s3  }
0x9d: {  	[timem:s7], [sflag:s22] =	dma.local [hbm:s5], s20  }
0x9e: {  	_ =	swait.ge [sflag:s22], s20  }
0x9f: {  	s4 =	ssub.s32 $0x0, s20;
	[sflag:s22] =	ssyncset.done $0x0  }
0xa0: {  	[sflag:s22] =	ssyncadd.s32 s4;
	_ =	sdelay $0x1  }
0xa1: {  	s23 =	simm.s32 $0x1B8B  }
0xa2: {  	_ =	swait.ge [sflag:s23], $0x1  }
0xa3: {  	[sflag:s23] =	ssyncset.done $0x0  }
0xa4: {  	s25 =	simm.s32 $0x1B8E;
	s24 =	sld [smem:$0x3FFE];
	[sflag:s23] =	ssyncadd.s32 $0xFFFFFFFF  }
0xa5: {  	s26 =	simm.s32 $execute0_lowered;
	[smem:$0x3FD2] =	sst s25  }
0xa6: {  	s5 =	sshll.u32 s26, $0x1;
	_ =	strace $0x80000046;
	[dreg:$0x1] =	wrdreg $0xFFFFFFFF  }
0xa7: {  	s28 =	simm.s32 $_size_execute0_lowered;
	s3 =	sadd.s32 s3, s5;
	[dreg:$0x0] =	wrdreg $0x0  }
0xa8: {  	s5 =	sshll.u32 s28, $0x1;
	[dreg:$0x2] =	wrdreg s3  }
0xa9: {  	[dreg:$0x3] =	wrdreg s5  }
0xaa: {  	[dreg:$0x4] =	wrdreg $0xC0  }
0xab: {  	_ =	task [dreg:s7], $0x5FFFF  }
0xac: {  	[dreg:$0x1] =	wrdreg $0xFFFFFFFF  }
0xad: {  	[dreg:$0x0] =	wrdreg $0x60  }
0xae: {  	[dreg:$0x2] =	wrdreg s2  }
0xaf: {  	[dreg:$0x3] =	wrdreg s24  }
0xb0: {  	[dreg:$0x4] =	wrdreg $0x0  }
0xb1: {  	[dreg:$0x5] =	wrdreg $0xA  }
0xb2: {  	_ =	task.clear_ibuf [dreg:s7], $0x6FFFF;
	_ =	strace $0x90000046  }
0xb3: {  	s29 =	simm.s32 $0xA;
	_ =	strace $0x80000048  }
0xb4: {  	_ =	swait.ge [sflag:s29], $0x1  }
0xb5: {  	[sflag:s29] =	ssyncadd.s32 $0xFFFFFFFF  }
0xb6: {  	_ =	strace $0x90000048  }
0xb7: {  	_ =	sfence  }
0xb8: {  	s30 =	sld [smem:$0x0];
	_ =	sdelay $0x2  }
0xb9: {  	s31 =	sshll.u32 s1, $0xD;
	s1 =	sshrl.u32 s1, $0x2  }
0xba: {  	s3 =	sand.u32 $0x4000, s31;
	s1 =	sadd.s32 s1, s30  }
0xbb: {  	s0 =	sor.u32 s3, s0;
	s1 =	sshll.u32 s1, $0x11  }
0xbc: {  	s0 =	sor.u32 s1, s0  }
0xbd: {  	s0 =	sadd.s32 $0x8F2B, s0  }
0xbe: {  	[sflag:s0] =	ssyncadd.remote.s32 $0x1  }
0xbf: {  	_ =	sfence.sel $0xFFFF  }
0xc0: {  	[dreg:$0x0] =	wrdreg $0xFFFFFFFF;
	(pc) =	sbr.abs _section_cstart, $3  }
0xc1: {  	[dreg:$0x1] =	wrdreg $0xFFFFFFFF  }
0xc2: {  	_ =	task.clear_ibuf [dreg:s7], $0x2FFFF;
	_ =	strace $0x9FFFFFFF  }
0xc3: {  	(tm) =	ssettm $0x7FFFFFFF  }
tec
execute0_lowered:
.L_overlay_start_1:
0x0: {  	(tag) =	ssettag $0x1  }
0x1: {  	s1 =	rddreg [dreg:$0x0]  }
0x2: {  	s0 =	rddreg [dreg:$0x1]  }
0x3: {  	s2 =	rddreg [dreg:$0x2]  }
0x4: {  	s3 =	srdreg.scid;
	s4 =	simm.s32 $0x0;
	s10 =	stileid.u32  }
0x5: {  	s28 =	simm.s32 $0x1;
	s29 =	simm.s32 $0x14100;
	s30 =	simm.s32 $0x14180  }
0x6: {  	s31 =	simm.s32 $0x17E00;
	s3 =	sand.u32 $0x1, s3;
	s6 =	smul.u32 $0x14000, s10  }
0x7: {  	[smem:$0x7FF] =	sst s4;
	s7 =	sadd.s32 $0xC600, s0;
	s16 =	smul.u32 $0x50000, s10  }
0x8: {  	s8 =	sshll.u32 s10, $0x1;
	s18 =	sadd.s32 $0x2800, s0;
	s13 =	smul.u32 $0x4EC0, s10  }
0x9: {  	s9 =	sadd.s32 $0x16400, s0;
	s5 =	smul.u32 $0x140000, s3;
	_ =	strace $0x80000047  }
0xa: {  	s15 =	sor.u32 s3, s8;
	s17 =	ssub.s32 $0x2, s3;
	s3 =	smul.u32 $0x2760, s3  }
0xb: {  	[dreg:$0x4] =	wrdreg s9;
	s19 =	sshrl.u32 s17, $0x1;
	s8 =	sshrl.u32 s16, $0x2  }
0xc: {  	s5 =	sadd.s32 s6, s5;
	s6 =	smul.u32 $0x2760, s15;
	s3 =	sadd.s32 s3, s13  }
0xd: {  	s9 =	sadd.s32 s8, s2;
	s5 =	sshrl.u32 s5, $0x3;
	s26 =	sadd.s32 $0x1E0, s3  }
0xe: {  	s3 =	sadd.s32 $0x168, s3;
	s0 =	sadd.s32 s5, s0;
	s12 =	sshrl.u32 s6, $0x3  }
0xf: {  	s5 =	ssub.s32 s17, s19;
	s22 =	sadd.s32 $0x78, s6;
	s6 =	sadd.s32 $0x26E8, s6  }
0x10: {  	s3 =	sshrl.u32 s3, $0x3;
	s20 =	sadd.s32 s7, s12;
	s21 =	sadd.s32 s18, s12  }
0x11: {  	s5 =	smax.u32 s5, $0x1;
	s23 =	sshrl.u32 s22, $0x3;
	s24 =	sadd.s32 $0x1E, s12  }
0x12: {  	s25 =	sshrl.u32 s6, $0x3;
	s6 =	sshrl.u32 s26, $0x3;
	[dreg:$0x5] =	wrdreg s20  }
0x13: {  	s19 =	sadd.s32 s3, s7;
	s22 =	simm.s32 $0x5;
	[dreg:$0x6] =	wrdreg s21  }
0x14: {  	s26 =	simm.s32 $0x14200;
	[dreg:$0x7] =	wrdreg s5;
	s8 =	sadd.s32 s7, s23  }
0x15: {  	s11 =	sadd.s32 s18, s23;
	s12 =	sadd.s32 s7, s24;
	s13 =	sadd.s32 s18, s24  }
0x16: {  	s14 =	sadd.s32 s7, s25;
	s15 =	sadd.s32 s18, s25;
	s16 =	sadd.s32 s6, s18  }
0x17: {  	s17 =	sadd.s32 s6, s7;
	s18 =	sadd.s32 s3, s18;
	s20 =	sadd.s32 $0x16600, s0  }
0x18: {  	s21 =	simm.s32 $0x1BA00;
	s23 =	simm.s32 $0x14000;
	s24 =	simm.s32 $0x14080  }
0x19: {  	s25 =	simm.s32 $0x78;
	s0 =	simm.s32 $0x2;
	s3 =	simm.s32 $0x3  }
0x1a: {  	s5 =	simm.s32 $0x4;
	s7 =	simm.s32 $0x0;
	[dreg:$0x8] =	wrdreg s8  }
.LBB2_1:
0x1b: {  	s6 =	rddreg [dreg:$0x4]  }
0x1c: {  	[tilespmem:s21], [sflag:$0x5] =	stream.linear.gather [hbm4b:s6+s4], $0x800, $0x38;
	[tilespmem:$0x1C200] =	vst v63  }
0x1d: {  	_ =	swait.ge [sflag:s22], $0x800  }
0x1e: {  	[sflag:s22] =	ssyncset.done $0x0  }
0x1f: {  	s10 =	sadd.s32 $0x0, s9;
	[sflag:s22] =	ssyncadd.s32 $0xFFFFF800  }
0x20: {  	[spmem:s10] =	stream.linear.scatter [tilespmem:s21], [sflag:$0x5], $0x800, $0x38;
	[tilespmem:$0x1C200] =	vst v63  }
0x21: {  	s6 =	simm.s32 $0x2000;
	_ =	swait.ge [sflag:s22], $0x800  }
.LBB2_2:
0x22: {  	s8 =	sshra.s32 s6, $0x2;
	[sflag:s22] =	ssyncset.done $0x0;
	p0 =	sne.s32 s6, $0x4E000  }
.Ltmp0:
0x23: {  	s8 =	sadd.s32 s8, s9;
	[sflag:s22] =	ssyncadd.s32 $0xFFFFF800;
	(pc) =	sbr.rel @p0 .LBB2_2-.Ltmp0, $3  }
0x24: {  	[spmem:s8] =	stream.linear.scatter [tilespmem:s21], [sflag:$0x5], $0x800, $0x38;
	[tilespmem:$0x1C200] =	vst v63  }
0x25: {  	s6 =	sadd.s32 $0x2000, s6;
	_ =	sdelay $0x1  }
0x26: {  	_ =	swait.ge [sflag:s22], $0x800  }
0x27: {  	[sflag:s22] =	ssyncset.done $0x0  }
0x28: {  	[sflag:s22] =	ssyncadd.s32 $0xFFFFF800  }
0x29: {  	[bflag:$0x0] =	sbarrier.arrive $0xFFFF  }
0x2a: {  	s6 =	simm.s32 $0x0;
	s8 =	rddreg [dreg:$0x5]  }
0x2b: {  	[tilespmem:s23], [sflag:$0x5] =	stream.linear.gather [hbm4b:s8+s6], $0x78, $0x38;
	[tilespmem:$0x1C200] =	vst v63  }
0x2c: {  	_ =	swait.ge [sflag:s22], $0x78  }
0x2d: {  	[sflag:s22] =	ssyncset.done $0x0  }
0x2e: {  	s10 =	rddreg [dreg:$0x6];
	[sflag:s22] =	ssyncadd.s32 $0xFFFFFF88  }
0x2f: {  	[tilespmem:s24], [sflag:$0x5] =	stream.linear.gather [hbm4b:s10+s6], $0x78, $0x38;
	[tilespmem:$0x1C200] =	vst v63  }
0x30: {  	_ =	swait.ge [sflag:s22], $0x78  }
0x31: {  	[sflag:s22] =	ssyncset.done $0x0  }
0x32: {  	[sflag:s22] =	ssyncadd.s32 $0xFFFFFF88  }
0x33: {  	[tilespmem:s26], [sflag:$0x1] =	stream.indirect.gather [hbm4b:s1+s25], $0x80, s23, s25, $0xb8;
	[tilespmem:$0x1C200] =	vst v63  }
0x34: {  	_ =	swait.ge [sflag:s28], $0x3C00  }
0x35: {  	[sflag:s28] =	ssyncset.done $0x0  }
0x36: {  	s10 =	rddreg [dreg:$0x8];
	[sflag:s28] =	ssyncadd.s32 $0xFFFFC400  }
0x37: {  	[tilespmem:s29], [sflag:$0x5] =	stream.linear.gather [hbm4b:s10+s6], $0x78, $0x38;
	[tilespmem:$0x1C200] =	vst v63  }
0x38: {  	_ =	swait.ge [sflag:s22], $0x78  }
0x39: {  	[sflag:s22] =	ssyncset.done $0x0  }
0x3a: {  	[sflag:s22] =	ssyncadd.s32 $0xFFFFFF88  }
0x3b: {  	[tilespmem:s30], [sflag:$0x5] =	stream.linear.gather [hbm4b:s11+s6], $0x78, $0x38;
	[tilespmem:$0x1C200] =	vst v63  }
0x3c: {  	_ =	swait.ge [sflag:s22], $0x78  }
0x3d: {  	[sflag:s22] =	ssyncset.done $0x0  }
0x3e: {  	[sflag:s22] =	ssyncadd.s32 $0xFFFFFF88  }
0x3f: {  	[tilespmem:s31], [sflag:$0x2] =	stream.indirect.gather [hbm4b:s1+s25], $0x80, s29, s25, $0xb8;
	[tilespmem:$0x1C200] =	vst v63  }
0x40: {  	_ = 	snop  }
0x41: {  	[spmem:s2] =	stream.indirect.scatter.add.f32 [tilespmem:s26], [sflag:$0x3], $0x80, s24, s25, $0xb8;
	[tilespmem:$0x1C200] =	vst v63  }
0x42: {  	_ =	swait.ge [sflag:s0], $0x3C00  }
0x43: {  	[sflag:s0] =	ssyncset.done $0x0  }
0x44: {  	[sflag:s0] =	ssyncadd.s32 $0xFFFFC400  }
0x45: {  	_ =	swait.ge [sflag:s3], $0x3C00  }
0x46: {  	[sflag:s3] =	ssyncset.done $0x0  }
0x47: {  	[sflag:s3] =	ssyncadd.s32 $0xFFFFC400  }
0x48: {  	[tilespmem:s23], [sflag:$0x5] =	stream.linear.gather [hbm4b:s12+s6], $0x78, $0x38;
	[tilespmem:$0x1C200] =	vst v63  }
0x49: {  	_ =	swait.ge [sflag:s22], $0x78  }
0x4a: {  	[sflag:s22] =	ssyncset.done $0x0  }
0x4b: {  	[sflag:s22] =	ssyncadd.s32 $0xFFFFFF88  }
0x4c: {  	[tilespmem:s24], [sflag:$0x5] =	stream.linear.gather [hbm4b:s13+s6], $0x78, $0x38;
	[tilespmem:$0x1C200] =	vst v63  }
0x4d: {  	_ =	swait.ge [sflag:s22], $0x78  }
0x4e: {  	[sflag:s22] =	ssyncset.done $0x0  }
0x4f: {  	[sflag:s22] =	ssyncadd.s32 $0xFFFFFF88  }
0x50: {  	[tilespmem:s26], [sflag:$0x1] =	stream.indirect.gather [hbm4b:s1+s25], $0x80, s23, s25, $0xb8;
	[tilespmem:$0x1C200] =	vst v63  }
0x51: {  	_ = 	snop  }
0x52: {  	[spmem:s2] =	stream.indirect.scatter.add.f32 [tilespmem:s31], [sflag:$0x4], $0x80, s30, s25, $0xb8;
	[tilespmem:$0x1C200] =	vst v63  }
0x53: {  	_ =	swait.ge [sflag:s28], $0x3C00  }
0x54: {  	[sflag:s28] =	ssyncset.done $0x0  }
0x55: {  	[sflag:s28] =	ssyncadd.s32 $0xFFFFC400  }
0x56: {  	_ =	swait.ge [sflag:s5], $0x3C00  }
0x57: {  	[sflag:s5] =	ssyncset.done $0x0  }
0x58: {  	s8 =	sadd.s32 $0x0, s19;
	[sflag:s5] =	ssyncadd.s32 $0xFFFFC400  }
0x59: {  	[tilespmem:s29], [sflag:$0x5] =	stream.linear.gather [hbm4b:s8+s4], $0x78, $0x38;
	[tilespmem:$0x1C200] =	vst v63  }
0x5a: {  	_ =	swait.ge [sflag:s22], $0x78  }
0x5b: {  	[sflag:s22] =	ssyncset.done $0x0  }
0x5c: {  	s10 =	sadd.s32 $0x0, s18;
	[sflag:s22] =	ssyncadd.s32 $0xFFFFFF88  }
0x5d: {  	[tilespmem:s30], [sflag:$0x5] =	stream.linear.gather [hbm4b:s10+s4], $0x78, $0x38;
	[tilespmem:$0x1C200] =	vst v63  }
0x5e: {  	_ =	swait.ge [sflag:s22], $0x78  }
0x5f: {  	[sflag:s22] =	ssyncset.done $0x0  }
0x60: {  	[sflag:s22] =	ssyncadd.s32 $0xFFFFFF88  }
0x61: {  	[tilespmem:s31], [sflag:$0x2] =	stream.indirect.gather [hbm4b:s1+s25], $0x80, s29, s25, $0xb8;
	[tilespmem:$0x1C200] =	vst v63  }
0x62: {  	_ = 	snop  }
0x63: {  	[spmem:s2] =	stream.indirect.scatter.add.f32 [tilespmem:s26], [sflag:$0x3], $0x80, s24, s25, $0xb8;
	[tilespmem:$0x1C200] =	vst v63  }
0x64: {  	_ =	swait.ge [sflag:s0], $0x3C00  }
0x65: {  	[sflag:s0] =	ssyncset.done $0x0  }
0x66: {  	[sflag:s0] =	ssyncadd.s32 $0xFFFFC400  }
0x67: {  	_ =	swait.ge [sflag:s3], $0x3C00  }
0x68: {  	[sflag:s3] =	ssyncset.done $0x0  }
0x69: {  	s8 =	sadd.s32 $0x0, s17;
	[sflag:s3] =	ssyncadd.s32 $0xFFFFC400  }
0x6a: {  	[tilespmem:s23], [sflag:$0x5] =	stream.linear.gather [hbm4b:s8+s4], $0x78, $0x38;
	[tilespmem:$0x1C200] =	vst v63  }
0x6b: {  	_ =	swait.ge [sflag:s22], $0x78  }
0x6c: {  	[sflag:s22] =	ssyncset.done $0x0  }
0x6d: {  	s10 =	sadd.s32 $0x0, s16;
	[sflag:s22] =	ssyncadd.s32 $0xFFFFFF88  }
0x6e: {  	[tilespmem:s24], [sflag:$0x5] =	stream.linear.gather [hbm4b:s10+s4], $0x78, $0x38;
	[tilespmem:$0x1C200] =	vst v63  }
0x6f: {  	_ =	swait.ge [sflag:s22], $0x78  }
0x70: {  	[sflag:s22] =	ssyncset.done $0x0  }
0x71: {  	s8 =	simm.s32 $0x1E;
	[sflag:s22] =	ssyncadd.s32 $0xFFFFFF88  }
0x72: {  	[tilespmem:s26], [sflag:$0x1] =	stream.indirect.gather [hbm4b:s1+s25], $0x80, s23, s25, $0xb8;
	[tilespmem:$0x1C200] =	vst v63  }
.LBB2_4:
0x73: {  	[spmem:s2] =	stream.indirect.scatter.add.f32 [tilespmem:s31], [sflag:$0x4], $0x80, s30, s25, $0xb8;
	[tilespmem:$0x1C200] =	vst v63  }
0x74: {  	s6 =	smov.u32 s8  }
0x75: {  	p0 =	sne.s32 s8, $0x492;
	s8 =	sadd.s32 $0x1E, s8;
	_ =	swait.ge [sflag:s28], $0x3C00  }
0x76: {  	[sflag:s28] =	ssyncset.done $0x0  }
0x77: {  	[sflag:s28] =	ssyncadd.s32 $0xFFFFC400  }
0x78: {  	_ =	swait.ge [sflag:s5], $0x3C00  }
0x79: {  	[sflag:s5] =	ssyncset.done $0x0  }
0x7a: {  	s10 =	sadd.s32 s6, s19;
	[sflag:s5] =	ssyncadd.s32 $0xFFFFC400  }
0x7b: {  	[tilespmem:s29], [sflag:$0x5] =	stream.linear.gather [hbm4b:s10+s4], $0x78, $0x38;
	[tilespmem:$0x1C200] =	vst v63  }
0x7c: {  	_ =	swait.ge [sflag:s22], $0x78  }
0x7d: {  	[sflag:s22] =	ssyncset.done $0x0  }
0x7e: {  	s10 =	sadd.s32 s6, s18;
	[sflag:s22] =	ssyncadd.s32 $0xFFFFFF88  }
0x7f: {  	[tilespmem:s30], [sflag:$0x5] =	stream.linear.gather [hbm4b:s10+s4], $0x78, $0x38;
	[tilespmem:$0x1C200] =	vst v63  }
0x80: {  	_ =	swait.ge [sflag:s22], $0x78  }
0x81: {  	[sflag:s22] =	ssyncset.done $0x0  }
0x82: {  	[sflag:s22] =	ssyncadd.s32 $0xFFFFFF88  }
0x83: {  	[tilespmem:s31], [sflag:$0x2] =	stream.indirect.gather [hbm4b:s1+s25], $0x80, s29, s25, $0xb8;
	[tilespmem:$0x1C200] =	vst v63  }
0x84: {  	_ = 	snop  }
0x85: {  	[spmem:s2] =	stream.indirect.scatter.add.f32 [tilespmem:s26], [sflag:$0x3], $0x80, s24, s25, $0xb8;
	[tilespmem:$0x1C200] =	vst v63  }
0x86: {  	_ =	swait.ge [sflag:s0], $0x3C00  }
0x87: {  	[sflag:s0] =	ssyncset.done $0x0  }
0x88: {  	[sflag:s0] =	ssyncadd.s32 $0xFFFFC400  }
0x89: {  	_ =	swait.ge [sflag:s3], $0x3C00  }
0x8a: {  	[sflag:s3] =	ssyncset.done $0x0  }
0x8b: {  	s10 =	sadd.s32 s6, s17;
	[sflag:s3] =	ssyncadd.s32 $0xFFFFC400  }
0x8c: {  	[tilespmem:s23], [sflag:$0x5] =	stream.linear.gather [hbm4b:s10+s4], $0x78, $0x38;
	[tilespmem:$0x1C200] =	vst v63  }
0x8d: {  	_ =	swait.ge [sflag:s22], $0x78  }
0x8e: {  	[sflag:s22] =	ssyncset.done $0x0  }
0x8f: {  	s6 =	sadd.s32 s6, s16;
	[sflag:s22] =	ssyncadd.s32 $0xFFFFFF88  }
0x90: {  	[tilespmem:s24], [sflag:$0x5] =	stream.linear.gather [hbm4b:s6+s4], $0x78, $0x38;
	[tilespmem:$0x1C200] =	vst v63  }
.Ltmp1:
0x91: {  	_ = 	snop;
	(pc) =	sbr.rel @p0 .LBB2_4-.Ltmp1, $4  }
0x92: {  	_ =	swait.ge [sflag:s22], $0x78  }
0x93: {  	[sflag:s22] =	ssyncset.done $0x0  }
0x94: {  	[sflag:s22] =	ssyncadd.s32 $0xFFFFFF88  }
0x95: {  	[tilespmem:s26], [sflag:$0x1] =	stream.indirect.gather [hbm4b:s1+s25], $0x80, s23, s25, $0xb8;
	[tilespmem:$0x1C200] =	vst v63  }
0x96: {  	[spmem:s2] =	stream.indirect.scatter.add.f32 [tilespmem:s31], [sflag:$0x4], $0x80, s30, s25, $0xb8;
	[tilespmem:$0x1C200] =	vst v63  }
0x97: {  	_ =	swait.ge [sflag:s28], $0x3C00  }
0x98: {  	[sflag:s28] =	ssyncset.done $0x0  }
0x99: {  	[sflag:s28] =	ssyncadd.s32 $0xFFFFC400  }
0x9a: {  	_ =	swait.ge [sflag:s5], $0x3C00  }
0x9b: {  	[sflag:s5] =	ssyncset.done $0x0  }
0x9c: {  	s6 =	simm.s32 $0x0;
	[sflag:s5] =	ssyncadd.s32 $0xFFFFC400  }
0x9d: {  	[tilespmem:s29], [sflag:$0x5] =	stream.linear.gather [hbm4b:s14+s6], $0x78, $0x38;
	[tilespmem:$0x1C200] =	vst v63  }
0x9e: {  	_ =	swait.ge [sflag:s22], $0x78  }
0x9f: {  	[sflag:s22] =	ssyncset.done $0x0  }
0xa0: {  	[sflag:s22] =	ssyncadd.s32 $0xFFFFFF88  }
0xa1: {  	[tilespmem:s30], [sflag:$0x5] =	stream.linear.gather [hbm4b:s15+s6], $0x78, $0x38;
	[tilespmem:$0x1C200] =	vst v63  }
0xa2: {  	_ =	swait.ge [sflag:s22], $0x78  }
0xa3: {  	[sflag:s22] =	ssyncset.done $0x0  }
0xa4: {  	[sflag:s22] =	ssyncadd.s32 $0xFFFFFF88  }
0xa5: {  	[tilespmem:s31], [sflag:$0x2] =	stream.indirect.gather [hbm4b:s1+s25], $0x80, s29, s25, $0xb8;
	[tilespmem:$0x1C200] =	vst v63  }
0xa6: {  	_ = 	snop  }
0xa7: {  	[spmem:s2] =	stream.indirect.scatter.add.f32 [tilespmem:s26], [sflag:$0x3], $0x80, s24, s25, $0xb8;
	[tilespmem:$0x1C200] =	vst v63  }
0xa8: {  	_ =	swait.ge [sflag:s0], $0x3C00  }
0xa9: {  	[sflag:s0] =	ssyncset.done $0x0  }
0xaa: {  	[sflag:s0] =	ssyncadd.s32 $0xFFFFC400  }
0xab: {  	_ =	swait.ge [sflag:s3], $0x3C00  }
0xac: {  	[sflag:s3] =	ssyncset.done $0x0  }
0xad: {  	[sflag:s3] =	ssyncadd.s32 $0xFFFFC400  }
0xae: {  	[tilespmem:s23], [sflag:$0x5] =	stream.linear.gather [hbm4b:s14+s6], $0x78, $0x38;
	[tilespmem:$0x1C200] =	vst v63  }
0xaf: {  	_ =	swait.ge [sflag:s22], $0x78  }
0xb0: {  	[sflag:s22] =	ssyncset.done $0x0  }
0xb1: {  	[sflag:s22] =	ssyncadd.s32 $0xFFFFFF88  }
0xb2: {  	[tilespmem:s24], [sflag:$0x5] =	stream.linear.gather [hbm4b:s15+s6], $0x78, $0x38;
	[tilespmem:$0x1C200] =	vst v63  }
0xb3: {  	_ =	swait.ge [sflag:s22], $0x78  }
0xb4: {  	[sflag:s22] =	ssyncset.done $0x0  }
0xb5: {  	[sflag:s22] =	ssyncadd.s32 $0xFFFFFF88  }
0xb6: {  	[tilespmem:s26], [sflag:$0x1] =	stream.indirect.gather [hbm4b:s1+s25], $0x80, s23, s25, $0xb8;
	[tilespmem:$0x1C200] =	vst v63  }
0xb7: {  	_ = 	snop  }
0xb8: {  	[spmem:s2] =	stream.indirect.scatter.add.f32 [tilespmem:s31], [sflag:$0x4], $0x80, s30, s25, $0xb8;
	[tilespmem:$0x1C200] =	vst v63  }
0xb9: {  	_ =	swait.ge [sflag:s28], $0x3C00  }
0xba: {  	[sflag:s28] =	ssyncset.done $0x0  }
0xbb: {  	[sflag:s28] =	ssyncadd.s32 $0xFFFFC400  }
0xbc: {  	_ =	swait.ge [sflag:s5], $0x3C00  }
0xbd: {  	[sflag:s5] =	ssyncset.done $0x0  }
0xbe: {  	[sflag:s5] =	ssyncadd.s32 $0xFFFFC400  }
0xbf: {  	[bflag:$0x0] =	sbarrier.arrive $0xFFFF  }
0xc0: {  	[tilespmem:s21], [sflag:$0x5] =	stream.linear.gather [spmem:s9], $0x800, $0x38;
	[tilespmem:$0x1C200] =	vst v63  }
0xc1: {  	_ =	swait.ge [sflag:s22], $0x800  }
0xc2: {  	[sflag:s22] =	ssyncset.done $0x0  }
0xc3: {  	s10 =	sadd.s32 $0x0, s20;
	[sflag:s22] =	ssyncadd.s32 $0xFFFFF800  }
0xc4: {  	[hbm4b:s10+s4] =	stream.linear.scatter [tilespmem:s21], [sflag:$0x5], $0x800, $0x38;
	[tilespmem:$0x1C200] =	vst v63  }
0xc5: {  	_ =	swait.ge [sflag:s22], $0x800  }
0xc6: {  	s8 =	simm.s32 $0x100;
	s6 =	smov.u32 s9;
	[sflag:s22] =	ssyncset.done $0x0  }
.LBB2_6:
0xc7: {  	p0 =	sne.s32 s8, $0x2700;
	[sflag:s22] =	ssyncadd.s32 $0xFFFFF800;
	s6 =	sadd.s32 $0x800, s6  }
0xc8: {  	[tilespmem:s21], [sflag:$0x5] =	stream.linear.gather [spmem:s6], $0x800, $0x38;
	[tilespmem:$0x1C200] =	vst v63  }
0xc9: {  	s10 =	smov.u32 s8;
	s8 =	sadd.s32 $0x100, s8;
	_ =	swait.ge [sflag:s22], $0x800  }
.Ltmp2:
0xca: {  	[sflag:s22] =	ssyncset.done $0x0;
	(pc) =	sbr.rel @p0 .LBB2_6-.Ltmp2, $4  }
0xcb: {  	s10 =	sadd.s32 s10, s20;
	[sflag:s22] =	ssyncadd.s32 $0xFFFFF800  }
0xcc: {  	[hbm4b:s10+s4] =	stream.linear.scatter [tilespmem:s21], [sflag:$0x5], $0x800, $0x38;
	[tilespmem:$0x1C200] =	vst v63  }
0xcd: {  	_ =	swait.ge [sflag:s22], $0x800  }
0xce: {  	[sflag:s22] =	ssyncset.done $0x0  }
0xcf: {  	s7 =	sadd.s32 $0x1, s7;
	s6 =	rddreg [dreg:$0x7]  }
0xd0: {  	p0 =	sne.s32 s7, s6  }
.Ltmp3:
0xd1: {  	_ = 	snop;
	(pc) =	sbr.rel @p0 .LBB2_1-.Ltmp3, $2  }
0xd2: {  	_ =	sdelay $0x2  }
0xd3: {  	[sflag:s22] =	ssyncadd.s32 $0xFFFFF800  }
0xd4: {  	_ =	sfence.sel $0x180000  }
0xd5: {  	[bflag:$0x0] =	sbarrier.arrive $0xFFFF  }
0xd6: {  	_ =	strace $0x90000047  }
0xd7: {  	s0 =	stileid.u32;
	[bflag:$0x2] =	sbarrier.arrive $0xFFFF  }
0xd8: {  	p0 =	sne.s32 s0, $0x0;
	s0 =	rddreg [dreg:$0x3]  }
0xd9: {  	s0 =	sadd.s32 @!p0 $0x100000, s0  }
0xda: {  	[sflag:s0] =	ssyncadd.tile.s32 @!p0 $0x1;
	_ =	shalt  }
.Lfunc_end2:
_tile_overlayer_lowered:
.L_overlay_start_2:
0xdb: {  	(tag) =	ssettag $0x2  }
0xdc: {  	s0 =	rddreg [dreg:$0x0];
	s2 =	stileid.u32  }
0xdd: {  	s1 =	rddreg [dreg:$0x1];
	p0 =	sne.s32 s2, $0x0  }
0xde: {  	s3 =	rddreg [dreg:$0x2];
	[bflag:$0x3] =	sbarrier.arrive $0xFFFF;
	s2 =	simm.s32 @!p0 $0x1C05  }
0xdf: {  	[timem:s3], [sflag:s2] =	dma.local @!p0 [hbm:s0], s1  }
0xe0: {  	s0 =	simm.s32 @!p0 $0x5  }
0xe1: {  	_ =	swait.ge @!p0 [sflag:s0], s1  }
0xe2: {  	s1 =	ssub.s32 @!p0 $0x0, s1;
	[sflag:s0] =	ssyncset.done @!p0 $0x0  }
0xe3: {  	[sflag:s0] =	ssyncadd.s32 @!p0 s1  }
0xe4: {  	[bflag:$0x3] =	sbarrier.arrive $0xFFFF  }
0xe5: {  	_ =	shalt  }

// kernel: kernel.13.cloned.1.call-start
scs
__scs_entry_jumppad:
0x0: {  	(pc) =	sbr.rel $0x88, $3  }
0x1: {  	(tag) =	ssettag $0x0;
	lr =	simm.s32 $0x1  }
0x2: {  	[smem:$0x3F99] =	sst lr;
	_ =	strace $0xD0000000  }
0x3: {  	_ = 	snop  }
0x4: {  	_ = 	snop  }
0x5: {  	_ = 	snop  }
0x6: {  	_ = 	snop  }
0x7: {  	_ = 	snop  }
__scs_overlays_trampoline_lowered:
0x8: {  	[smem:$0x3FA8] =	sst s0  }
0x9: {  	[smem:$0x3FA9] =	sst s1  }
0xa: {  	[smem:$0x3FAA] =	sst s2  }
0xb: {  	[smem:$0x3FAB] =	sst s3  }
0xc: {  	[smem:$0x3FAC] =	sst s4  }
0xd: {  	[smem:$0x3FAD] =	sst s5  }
0xe: {  	[smem:$0x3FAE] =	sst s6  }
0xf: {  	[smem:$0x3FAF] =	sst s7  }
0x10: {  	[smem:$0x3FB0] =	sst s8  }
0x11: {  	[smem:$0x3FB1] =	sst s9;
	s0 =	simm.s32 @!p0 $0x0  }
0x12: {  	s1 =	sld [smem:$0x3F97];
	s0 =	simm.s32 @p0 $0x1  }
0x13: {  	[smem:$0x3FB2] =	sst s0;
	s0 =	simm.s32 @!p1 $0x0  }
0x14: {  	s2 =	sld [smem:$0x3F96];
	s0 =	simm.s32 @p1 $0x1  }
0x15: {  	[smem:$0x3FB3] =	sst s0;
	s0 =	simm.s32 @!p2 $0x0  }
0x16: {  	s3 =	sld [smem:$0x3FDB];
	s0 =	simm.s32 @p2 $0x1  }
0x17: {  	s4 =	simm.s32 $0x1BF5;
	[smem:$0x3FB5] =	sst s0  }
0x18: {  	s0 =	sld [smem:$0x3F98];
	_ =	swait.ge [sflag:s4], $0x0  }
0x19: {  	s7 =	sld [smem:$0x3F99]  }
0x1a: {  	s8 =	sadd.s32 $0xFFFFE003, lr  }
0x1b: {  	s9 =	sadd.s32 $0xFFFFFEF7, lr;
	s5 =	simm.s32 $0xFFFFFFFF;
	p2 =	slt.u32 s8, $0xFFFFF086  }
0x1c: {  	p1 =	slt.u32 s9, $0xF7A;
	s5 =	simm.s32 @!p2 $0x0  }
0x1d: {  	s5 =	simm.s32 @p1 $0x1;
	p0 =	seq.s32 s7, s2  }
0x1e: {  	s7 =	smul.u32 @!p0 $0xF7A, s2;
	p2 =	seq.s32 @!p0 s5, $0x0  }
0x1f: {  	s9 =	smul.u32 $0xF7A, s1;
	s8 =	simm.s32 @!p0 $0x1BF5;
	p2 =	por !p2, p0  }
0x20: {  	[sflag:s8] =	ssyncset.s32 @!p0 $0xFFFFF086;
	s6 =	sadd.s32 @!p0 s3, s7;
	s7 =	simm.s32 @!p0 $0x108  }
0x21: {  	s3 =	sadd.s32 s3, s9;
	s6 =	sadd.s32 @!p0 $0x88, s6;
	s7 =	simm.s32 @p2 $0x1082  }
0x22: {  	[simem:s7], [sflag:s8] =	dma.local @!p0 [hbm:s6], $0xF7A  }
0x23: {  	s9 =	sor.u32 $0xD0000000, s2;
	s6 =	simm.s32 $0x108;
	_ =	swait.ge @!p0 [sflag:s8], $0x0  }
0x24: {  	s3 =	sadd.s32 $0x88, s3;
	s6 =	simm.s32 @!p1 $0x1082;
	[sflag:s4] =	ssyncset.s32 $0xFFFFF086  }
0x25: {  	[simem:s6], [sflag:s4] =	dma.local [hbm:s3], $0xF7A  }
0x26: {  	[smem:$0x3F99] =	sst s1;
	(tag) =	ssettag s2;
	_ =	strace s9  }
0x27: {  	s1 =	sld [smem:$0x3FA9]  }
0x28: {  	s2 =	sld [smem:$0x3FAA]  }
0x29: {  	s4 =	sld [smem:$0x3FAC]  }
0x2a: {  	p0 =	seq.s32 s5, $0x0;
	s5 =	sld [smem:$0x3FAD]  }
0x2b: {  	s6 =	sld [smem:$0x3FAE]  }
0x2c: {  	s7 =	sld [smem:$0x3FAF]  }
0x2d: {  	s3 =	simm.s32 $0x108;
	s8 =	sld [smem:$0x3FB0]  }
0x2e: {  	s3 =	simm.s32 @!p0 $0x1082;
	s9 =	sld [smem:$0x3FB1]  }
0x2f: {  	lr =	sadd.s32 s0, s3;
	s0 =	sld [smem:$0x3FA8]  }
0x30: {  	s3 =	sld [smem:$0x3FAB]  }
0x31: {  	[smem:$0x3FB4] =	sst s10  }
0x32: {  	s10 =	sld [smem:$0x3FB2];
	_ =	sdelay $0x3  }
0x33: {  	p0 =	seq.s32 s10, $0x1;
	s10 =	sld [smem:$0x3FB4];
	_ =	sdelay $0x3  }
0x34: {  	[smem:$0x3FB4] =	sst s10  }
0x35: {  	s10 =	sld [smem:$0x3FB3];
	_ =	sdelay $0x3  }
0x36: {  	p1 =	seq.s32 s10, $0x1;
	s10 =	sld [smem:$0x3FB4];
	_ =	sdelay $0x3  }
0x37: {  	[smem:$0x3FB4] =	sst s10  }
0x38: {  	s10 =	sld [smem:$0x3FB5]  }
0x39: {  	_ = 	snop;
	(pc) =	sbr.ind lr, $3  }
0x3a: {  	_ = 	snop  }
0x3b: {  	_ = 	snop  }
0x3c: {  	p2 =	seq.s32 s10, $0x1;
	s10 =	sld [smem:$0x3FB4]  }
0x3d: {  	_ =	shalt  }
0x3e: {  	_ =	shalt  }
0x3f: {  	_ =	shalt  }
0x40: {  	_ =	shalt  }
0x41: {  	_ =	shalt  }
0x42: {  	_ =	shalt  }
0x43: {  	_ =	shalt  }
0x44: {  	_ =	shalt  }
0x45: {  	_ =	shalt  }
0x46: {  	_ =	shalt  }
0x47: {  	_ =	shalt  }
0x48: {  	_ =	shalt  }
0x49: {  	_ =	shalt  }
0x4a: {  	_ =	shalt  }
0x4b: {  	_ =	shalt  }
0x4c: {  	_ =	shalt  }
0x4d: {  	_ =	shalt  }
0x4e: {  	_ =	shalt  }
0x4f: {  	_ =	shalt  }
0x50: {  	_ =	shalt  }
0x51: {  	_ =	shalt  }
0x52: {  	_ =	shalt  }
0x53: {  	_ =	shalt  }
0x54: {  	_ =	shalt  }
0x55: {  	_ =	shalt  }
0x56: {  	_ =	shalt  }
0x57: {  	_ =	shalt  }
0x58: {  	_ =	shalt  }
0x59: {  	_ =	shalt  }
0x5a: {  	_ =	shalt  }
0x5b: {  	_ =	shalt  }
0x5c: {  	_ =	shalt  }
0x5d: {  	_ =	shalt  }
0x5e: {  	_ =	shalt  }
0x5f: {  	_ =	shalt  }
0x60: {  	_ =	shalt  }
0x61: {  	_ =	shalt  }
0x62: {  	_ =	shalt  }
0x63: {  	_ =	shalt  }
0x64: {  	_ =	shalt  }
0x65: {  	_ =	shalt  }
0x66: {  	_ =	shalt  }
0x67: {  	_ =	shalt  }
0x68: {  	_ =	shalt  }
0x69: {  	_ =	shalt  }
0x6a: {  	_ =	shalt  }
0x6b: {  	_ =	shalt  }
0x6c: {  	_ =	shalt  }
0x6d: {  	_ =	shalt  }
0x6e: {  	_ =	shalt  }
0x6f: {  	_ =	shalt  }
0x70: {  	_ =	shalt  }
0x71: {  	_ =	shalt  }
0x72: {  	_ =	shalt  }
0x73: {  	_ =	shalt  }
0x74: {  	_ =	shalt  }
0x75: {  	_ =	shalt  }
0x76: {  	_ =	shalt  }
0x77: {  	_ =	shalt  }
0x78: {  	_ =	shalt  }
0x79: {  	_ =	shalt  }
0x7a: {  	_ =	shalt  }
0x7b: {  	_ =	shalt  }
0x7c: {  	_ =	shalt  }
0x7d: {  	_ =	shalt  }
0x7e: {  	_ =	shalt  }
0x7f: {  	_ =	shalt  }
0x80: {  	_ =	shalt  }
0x81: {  	_ =	shalt  }
0x82: {  	_ =	shalt  }
0x83: {  	_ =	shalt  }
0x84: {  	_ =	shalt  }
0x85: {  	_ =	shalt  }
0x86: {  	_ =	shalt  }
0x87: {  	_ =	shalt  }
.Lfunc_end0:
.L_simem_size_0:
called_computation.2_lowered:
.L_overlay_start_0:
0x88: {  	s2 =	sld [smem:$0x3FD9]  }
0x89: {  	s3 =	sld [smem:$0x3FFE];
	_ =	sdelay $0x1  }
0x8a: {  	s1 =	srdreg.scid  }
0x8b: {  	s0 =	sand.u32 $0x1, s1  }
0x8c: {  	s16 =	sshll.u32 s0, $0xA;
	s2 =	sadd.s32 s3, s2  }
0x8d: {  	s2 =	sadd.s32 s2, s16  }
0x8e: {  	[smem:$0x3FC0] =	sst s2  }
0x8f: {  	_ = 	snop  }
0x90: {  	(tm) =	ssettm $0x1  }
0x91: {  	s17 =	sld [smem:$0x3FFB];
	_ =	sdelay $0x3  }
0x92: {  	_ =	strace s17  }
0x93: {  	s2 =	sld [smem:$0x3FFC];
	_ =	sdelay $0x3  }
0x94: {  	_ =	strace s2  }
0x95: {  	s2 =	sld [smem:$0x3FFD];
	_ =	sdelay $0x3  }
0x96: {  	_ =	strace s2  }
0x97: {  	_ =	strace $0x8FFFFFFF  }
0x98: {  	s18 =	sld [smem:$0x3FDB];
	_ =	sdelay $0x1  }
0x99: {  	s19 =	simm.s32 $_scs_section_size  }
0x9a: {  	s4 =	simm.s32 $_size__tile_overlayer_lowered;
	s5 =	simm.s32 $_tile_overlayer_lowered  }
0x9b: {  	s22 =	simm.s32 $0x1BFF;
	s21 =	sshll.u32 s5, $0x1;
	s2 =	sadd.s32 s19, s18  }
0x9c: {  	s6 =	simm.s32 $0x0;
	s20 =	sshll.u32 s4, $0x1;
	s4 =	sadd.s32 s21, s2  }
0x9d: {  	[timem:s6], [sflag:s22] =	dma.local [hbm:s4], s20  }
0x9e: {  	_ =	swait.ge [sflag:s22], s20  }
0x9f: {  	s3 =	ssub.s32 $0x0, s20;
	[sflag:s22] =	ssyncset.done $0x0  }
0xa0: {  	[sflag:s22] =	ssyncadd.s32 s3;
	_ =	sdelay $0x1  }
0xa1: {  	s23 =	simm.s32 $0x1B8B  }
0xa2: {  	_ =	swait.ge [sflag:s23], $0x1  }
0xa3: {  	[sflag:s23] =	ssyncset.done $0x0  }
0xa4: {  	s25 =	simm.s32 $0x1B8E;
	s24 =	sld [smem:$0x3FFE];
	[sflag:s23] =	ssyncadd.s32 $0xFFFFFFFF  }
0xa5: {  	s26 =	simm.s32 $execute0_lowered;
	[smem:$0x3FD2] =	sst s25  }
0xa6: {  	s4 =	sshll.u32 s26, $0x1;
	_ =	strace $0x8000004C;
	[dreg:$0x1] =	wrdreg $0xFFFFFFFF  }
0xa7: {  	s28 =	simm.s32 $_size_execute0_lowered;
	s2 =	sadd.s32 s2, s4;
	[dreg:$0x0] =	wrdreg $0x0  }
0xa8: {  	s4 =	sshll.u32 s28, $0x1;
	[dreg:$0x2] =	wrdreg s2  }
0xa9: {  	[dreg:$0x3] =	wrdreg s4  }
0xaa: {  	[dreg:$0x4] =	wrdreg $0xC0  }
0xab: {  	_ =	task [dreg:s6], $0x5FFFF  }
0xac: {  	[dreg:$0x1] =	wrdreg $0xFFFFFFFF  }
0xad: {  	[dreg:$0x0] =	wrdreg $0x60  }
0xae: {  	[dreg:$0x2] =	wrdreg s24  }
0xaf: {  	[dreg:$0x3] =	wrdreg $0x0  }
0xb0: {  	[dreg:$0x4] =	wrdreg $0x9  }
0xb1: {  	_ =	task.clear_ibuf [dreg:s6], $0x5FFFF;
	_ =	strace $0x9000004C  }
0xb2: {  	s29 =	simm.s32 $0x9;
	_ =	strace $0x8000004E  }
0xb3: {  	_ =	swait.ge [sflag:s29], $0x1  }
0xb4: {  	[sflag:s29] =	ssyncadd.s32 $0xFFFFFFFF  }
0xb5: {  	_ =	strace $0x9000004E  }
0xb6: {  	_ =	sfence  }
0xb7: {  	s30 =	sld [smem:$0x0];
	_ =	sdelay $0x2  }
0xb8: {  	s31 =	sshll.u32 s1, $0xD;
	s1 =	sshrl.u32 s1, $0x2  }
0xb9: {  	s3 =	sand.u32 $0x4000, s31;
	s1 =	sadd.s32 s1, s30  }
0xba: {  	s0 =	sor.u32 s3, s0;
	s1 =	sshll.u32 s1, $0x11  }
0xbb: {  	s0 =	sor.u32 s1, s0  }
0xbc: {  	s0 =	sadd.s32 $0x8F2B, s0  }
0xbd: {  	[sflag:s0] =	ssyncadd.remote.s32 $0x1  }
0xbe: {  	_ =	sfence.sel $0xFFFF  }
0xbf: {  	[dreg:$0x0] =	wrdreg $0xFFFFFFFF;
	(pc) =	sbr.abs _section_cstart, $3  }
0xc0: {  	[dreg:$0x1] =	wrdreg $0xFFFFFFFF  }
0xc1: {  	_ =	task.clear_ibuf [dreg:s6], $0x2FFFF;
	_ =	strace $0x9FFFFFFF  }
0xc2: {  	(tm) =	ssettm $0x7FFFFFFF  }
0xc3: {  	_ =	shalt  }
tec
execute0_lowered:
.L_overlay_start_1:
0x0: {  	(tag) =	ssettag $0x1  }
0x1: {  	s0 =	rddreg [dreg:$0x0]  }
0x2: {  	s1 =	rddreg [dreg:$0x1];
	s3 =	simm.s32 $0x0  }
0x3: {  	s2 =	srdreg.scid;
	s10 =	stileid.u32;
	s28 =	simm.s32 $0x1  }
0x4: {  	s29 =	simm.s32 $0x14100;
	s30 =	simm.s32 $0x14180;
	s31 =	simm.s32 $0x17E00  }
0x5: {  	[smem:$0x7FF] =	sst s3;
	s2 =	sand.u32 $0x1, s2;
	s6 =	smul.u32 $0x14000, s10  }
0x6: {  	s4 =	sadd.s32 $0x16600, s0;
	s7 =	sadd.s32 $0xC600, s0;
	s16 =	smul.u32 $0x50000, s10  }
0x7: {  	s8 =	sshll.u32 s10, $0x1;
	s18 =	sadd.s32 $0x2800, s0;
	s13 =	smul.u32 $0x4EC0, s10  }
0x8: {  	s9 =	sadd.s32 $0x16400, s0;
	s5 =	smul.u32 $0x140000, s2;
	_ =	strace $0x8000004D  }
0x9: {  	s15 =	sor.u32 s2, s8;
	s17 =	ssub.s32 $0x2, s2;
	s2 =	smul.u32 $0x2760, s2  }
0xa: {  	[dreg:$0x3] =	wrdreg s9;
	s19 =	sshrl.u32 s17, $0x1;
	s8 =	sshrl.u32 s16, $0x2  }
0xb: {  	s5 =	sadd.s32 s6, s5;
	s6 =	smul.u32 $0x2760, s15;
	s2 =	sadd.s32 s2, s13  }
0xc: {  	s9 =	sadd.s32 s8, s1;
	s5 =	sshrl.u32 s5, $0x3;
	s26 =	sadd.s32 $0x1E0, s2  }
0xd: {  	s2 =	sadd.s32 $0x168, s2;
	s0 =	sadd.s32 s5, s0;
	s12 =	sshrl.u32 s6, $0x3  }
0xe: {  	s5 =	ssub.s32 s17, s19;
	s22 =	sadd.s32 $0x78, s6;
	s6 =	sadd.s32 $0x26E8, s6  }
0xf: {  	s2 =	sshrl.u32 s2, $0x3;
	s20 =	sadd.s32 s7, s12;
	s21 =	sadd.s32 s18, s12  }
0x10: {  	s5 =	smax.u32 s5, $0x1;
	s23 =	sshrl.u32 s22, $0x3;
	s24 =	sadd.s32 $0x1E, s12  }
0x11: {  	s25 =	sshrl.u32 s6, $0x3;
	s6 =	sshrl.u32 s26, $0x3;
	[dreg:$0x4] =	wrdreg s20  }
0x12: {  	s19 =	sadd.s32 s2, s7;
	s22 =	simm.s32 $0x5;
	[dreg:$0x5] =	wrdreg s21  }
0x13: {  	s26 =	simm.s32 $0x14200;
	[dreg:$0x6] =	wrdreg s5;
	s8 =	sadd.s32 s7, s23  }
0x14: {  	s11 =	sadd.s32 s18, s23;
	s12 =	sadd.s32 s7, s24;
	s13 =	sadd.s32 s18, s24  }
0x15: {  	s14 =	sadd.s32 s7, s25;
	s15 =	sadd.s32 s18, s25;
	s16 =	sadd.s32 s6, s18  }
0x16: {  	s17 =	sadd.s32 s6, s7;
	s18 =	sadd.s32 s2, s18;
	s20 =	sadd.s32 $0x3D800, s0  }
0x17: {  	s21 =	simm.s32 $0x1BA00;
	s23 =	simm.s32 $0x14000;
	s24 =	simm.s32 $0x14080  }
0x18: {  	s25 =	simm.s32 $0x78;
	s0 =	simm.s32 $0x2;
	s2 =	simm.s32 $0x3  }
0x19: {  	s5 =	simm.s32 $0x4;
	s7 =	simm.s32 $0x0;
	[dreg:$0x7] =	wrdreg s8  }
.LBB2_1:
0x1a: {  	s6 =	rddreg [dreg:$0x3]  }
0x1b: {  	[tilespmem:s21], [sflag:$0x5] =	stream.linear.gather [hbm4b:s6+s3], $0x800, $0x38;
	[tilespmem:$0x1C200] =	vst v63  }
0x1c: {  	_ =	swait.ge [sflag:s22], $0x800  }
0x1d: {  	[sflag:s22] =	ssyncset.done $0x0  }
0x1e: {  	s10 =	sadd.s32 $0x0, s9;
	[sflag:s22] =	ssyncadd.s32 $0xFFFFF800  }
0x1f: {  	[spmem:s10] =	stream.linear.scatter [tilespmem:s21], [sflag:$0x5], $0x800, $0x38;
	[tilespmem:$0x1C200] =	vst v63  }
0x20: {  	s6 =	simm.s32 $0x2000;
	_ =	swait.ge [sflag:s22], $0x800  }
.LBB2_2:
0x21: {  	s8 =	sshra.s32 s6, $0x2;
	[sflag:s22] =	ssyncset.done $0x0;
	p0 =	sne.s32 s6, $0x4E000  }
.Ltmp0:
0x22: {  	s8 =	sadd.s32 s8, s9;
	[sflag:s22] =	ssyncadd.s32 $0xFFFFF800;
	(pc) =	sbr.rel @p0 .LBB2_2-.Ltmp0, $3  }
0x23: {  	[spmem:s8] =	stream.linear.scatter [tilespmem:s21], [sflag:$0x5], $0x800, $0x38;
	[tilespmem:$0x1C200] =	vst v63  }
0x24: {  	s6 =	sadd.s32 $0x2000, s6;
	_ =	sdelay $0x1  }
0x25: {  	_ =	swait.ge [sflag:s22], $0x800  }
0x26: {  	[sflag:s22] =	ssyncset.done $0x0  }
0x27: {  	[sflag:s22] =	ssyncadd.s32 $0xFFFFF800  }
0x28: {  	[bflag:$0x0] =	sbarrier.arrive $0xFFFF  }
0x29: {  	s6 =	simm.s32 $0x0;
	s8 =	rddreg [dreg:$0x4]  }
0x2a: {  	[tilespmem:s23], [sflag:$0x5] =	stream.linear.gather [hbm4b:s8+s6], $0x78, $0x38;
	[tilespmem:$0x1C200] =	vst v63  }
0x2b: {  	_ =	swait.ge [sflag:s22], $0x78  }
0x2c: {  	[sflag:s22] =	ssyncset.done $0x0  }
0x2d: {  	s10 =	rddreg [dreg:$0x5];
	[sflag:s22] =	ssyncadd.s32 $0xFFFFFF88  }
0x2e: {  	[tilespmem:s24], [sflag:$0x5] =	stream.linear.gather [hbm4b:s10+s6], $0x78, $0x38;
	[tilespmem:$0x1C200] =	vst v63  }
0x2f: {  	_ =	swait.ge [sflag:s22], $0x78  }
0x30: {  	[sflag:s22] =	ssyncset.done $0x0  }
0x31: {  	[sflag:s22] =	ssyncadd.s32 $0xFFFFFF88  }
0x32: {  	[tilespmem:s26], [sflag:$0x1] =	stream.indirect.gather [hbm4b:s4+s25], $0x80, s23, s25, $0xb8;
	[tilespmem:$0x1C200] =	vst v63  }
0x33: {  	_ =	swait.ge [sflag:s28], $0x3C00  }
0x34: {  	[sflag:s28] =	ssyncset.done $0x0  }
0x35: {  	s10 =	rddreg [dreg:$0x7];
	[sflag:s28] =	ssyncadd.s32 $0xFFFFC400  }
0x36: {  	[tilespmem:s29], [sflag:$0x5] =	stream.linear.gather [hbm4b:s10+s6], $0x78, $0x38;
	[tilespmem:$0x1C200] =	vst v63  }
0x37: {  	_ =	swait.ge [sflag:s22], $0x78  }
0x38: {  	[sflag:s22] =	ssyncset.done $0x0  }
0x39: {  	[sflag:s22] =	ssyncadd.s32 $0xFFFFFF88  }
0x3a: {  	[tilespmem:s30], [sflag:$0x5] =	stream.linear.gather [hbm4b:s11+s6], $0x78, $0x38;
	[tilespmem:$0x1C200] =	vst v63  }
0x3b: {  	_ =	swait.ge [sflag:s22], $0x78  }
0x3c: {  	[sflag:s22] =	ssyncset.done $0x0  }
0x3d: {  	[sflag:s22] =	ssyncadd.s32 $0xFFFFFF88  }
0x3e: {  	[tilespmem:s31], [sflag:$0x2] =	stream.indirect.gather [hbm4b:s4+s25], $0x80, s29, s25, $0xb8;
	[tilespmem:$0x1C200] =	vst v63  }
0x3f: {  	_ = 	snop  }
0x40: {  	[spmem:s1] =	stream.indirect.scatter.add.f32 [tilespmem:s26], [sflag:$0x3], $0x80, s24, s25, $0xb8;
	[tilespmem:$0x1C200] =	vst v63  }
0x41: {  	_ =	swait.ge [sflag:s0], $0x3C00  }
0x42: {  	[sflag:s0] =	ssyncset.done $0x0  }
0x43: {  	[sflag:s0] =	ssyncadd.s32 $0xFFFFC400  }
0x44: {  	_ =	swait.ge [sflag:s2], $0x3C00  }
0x45: {  	[sflag:s2] =	ssyncset.done $0x0  }
0x46: {  	[sflag:s2] =	ssyncadd.s32 $0xFFFFC400  }
0x47: {  	[tilespmem:s23], [sflag:$0x5] =	stream.linear.gather [hbm4b:s12+s6], $0x78, $0x38;
	[tilespmem:$0x1C200] =	vst v63  }
0x48: {  	_ =	swait.ge [sflag:s22], $0x78  }
0x49: {  	[sflag:s22] =	ssyncset.done $0x0  }
0x4a: {  	[sflag:s22] =	ssyncadd.s32 $0xFFFFFF88  }
0x4b: {  	[tilespmem:s24], [sflag:$0x5] =	stream.linear.gather [hbm4b:s13+s6], $0x78, $0x38;
	[tilespmem:$0x1C200] =	vst v63  }
0x4c: {  	_ =	swait.ge [sflag:s22], $0x78  }
0x4d: {  	[sflag:s22] =	ssyncset.done $0x0  }
0x4e: {  	[sflag:s22] =	ssyncadd.s32 $0xFFFFFF88  }
0x4f: {  	[tilespmem:s26], [sflag:$0x1] =	stream.indirect.gather [hbm4b:s4+s25], $0x80, s23, s25, $0xb8;
	[tilespmem:$0x1C200] =	vst v63  }
0x50: {  	_ = 	snop  }
0x51: {  	[spmem:s1] =	stream.indirect.scatter.add.f32 [tilespmem:s31], [sflag:$0x4], $0x80, s30, s25, $0xb8;
	[tilespmem:$0x1C200] =	vst v63  }
0x52: {  	_ =	swait.ge [sflag:s28], $0x3C00  }
0x53: {  	[sflag:s28] =	ssyncset.done $0x0  }
0x54: {  	[sflag:s28] =	ssyncadd.s32 $0xFFFFC400  }
0x55: {  	_ =	swait.ge [sflag:s5], $0x3C00  }
0x56: {  	[sflag:s5] =	ssyncset.done $0x0  }
0x57: {  	s8 =	sadd.s32 $0x0, s19;
	[sflag:s5] =	ssyncadd.s32 $0xFFFFC400  }
0x58: {  	[tilespmem:s29], [sflag:$0x5] =	stream.linear.gather [hbm4b:s8+s3], $0x78, $0x38;
	[tilespmem:$0x1C200] =	vst v63  }
0x59: {  	_ =	swait.ge [sflag:s22], $0x78  }
0x5a: {  	[sflag:s22] =	ssyncset.done $0x0  }
0x5b: {  	s10 =	sadd.s32 $0x0, s18;
	[sflag:s22] =	ssyncadd.s32 $0xFFFFFF88  }
0x5c: {  	[tilespmem:s30], [sflag:$0x5] =	stream.linear.gather [hbm4b:s10+s3], $0x78, $0x38;
	[tilespmem:$0x1C200] =	vst v63  }
0x5d: {  	_ =	swait.ge [sflag:s22], $0x78  }
0x5e: {  	[sflag:s22] =	ssyncset.done $0x0  }
0x5f: {  	[sflag:s22] =	ssyncadd.s32 $0xFFFFFF88  }
0x60: {  	[tilespmem:s31], [sflag:$0x2] =	stream.indirect.gather [hbm4b:s4+s25], $0x80, s29, s25, $0xb8;
	[tilespmem:$0x1C200] =	vst v63  }
0x61: {  	_ = 	snop  }
0x62: {  	[spmem:s1] =	stream.indirect.scatter.add.f32 [tilespmem:s26], [sflag:$0x3], $0x80, s24, s25, $0xb8;
	[tilespmem:$0x1C200] =	vst v63  }
0x63: {  	_ =	swait.ge [sflag:s0], $0x3C00  }
0x64: {  	[sflag:s0] =	ssyncset.done $0x0  }
0x65: {  	[sflag:s0] =	ssyncadd.s32 $0xFFFFC400  }
0x66: {  	_ =	swait.ge [sflag:s2], $0x3C00  }
0x67: {  	[sflag:s2] =	ssyncset.done $0x0  }
0x68: {  	s8 =	sadd.s32 $0x0, s17;
	[sflag:s2] =	ssyncadd.s32 $0xFFFFC400  }
0x69: {  	[tilespmem:s23], [sflag:$0x5] =	stream.linear.gather [hbm4b:s8+s3], $0x78, $0x38;
	[tilespmem:$0x1C200] =	vst v63  }
0x6a: {  	_ =	swait.ge [sflag:s22], $0x78  }
0x6b: {  	[sflag:s22] =	ssyncset.done $0x0  }
0x6c: {  	s10 =	sadd.s32 $0x0, s16;
	[sflag:s22] =	ssyncadd.s32 $0xFFFFFF88  }
0x6d: {  	[tilespmem:s24], [sflag:$0x5] =	stream.linear.gather [hbm4b:s10+s3], $0x78, $0x38;
	[tilespmem:$0x1C200] =	vst v63  }
0x6e: {  	_ =	swait.ge [sflag:s22], $0x78  }
0x6f: {  	[sflag:s22] =	ssyncset.done $0x0  }
0x70: {  	s8 =	simm.s32 $0x1E;
	[sflag:s22] =	ssyncadd.s32 $0xFFFFFF88  }
0x71: {  	[tilespmem:s26], [sflag:$0x1] =	stream.indirect.gather [hbm4b:s4+s25], $0x80, s23, s25, $0xb8;
	[tilespmem:$0x1C200] =	vst v63  }
.LBB2_4:
0x72: {  	[spmem:s1] =	stream.indirect.scatter.add.f32 [tilespmem:s31], [sflag:$0x4], $0x80, s30, s25, $0xb8;
	[tilespmem:$0x1C200] =	vst v63  }
0x73: {  	s6 =	smov.u32 s8  }
0x74: {  	p0 =	sne.s32 s8, $0x492;
	s8 =	sadd.s32 $0x1E, s8;
	_ =	swait.ge [sflag:s28], $0x3C00  }
0x75: {  	[sflag:s28] =	ssyncset.done $0x0  }
0x76: {  	[sflag:s28] =	ssyncadd.s32 $0xFFFFC400  }
0x77: {  	_ =	swait.ge [sflag:s5], $0x3C00  }
0x78: {  	[sflag:s5] =	ssyncset.done $0x0  }
0x79: {  	s10 =	sadd.s32 s6, s19;
	[sflag:s5] =	ssyncadd.s32 $0xFFFFC400  }
0x7a: {  	[tilespmem:s29], [sflag:$0x5] =	stream.linear.gather [hbm4b:s10+s3], $0x78, $0x38;
	[tilespmem:$0x1C200] =	vst v63  }
0x7b: {  	_ =	swait.ge [sflag:s22], $0x78  }
0x7c: {  	[sflag:s22] =	ssyncset.done $0x0  }
0x7d: {  	s10 =	sadd.s32 s6, s18;
	[sflag:s22] =	ssyncadd.s32 $0xFFFFFF88  }
0x7e: {  	[tilespmem:s30], [sflag:$0x5] =	stream.linear.gather [hbm4b:s10+s3], $0x78, $0x38;
	[tilespmem:$0x1C200] =	vst v63  }
0x7f: {  	_ =	swait.ge [sflag:s22], $0x78  }
0x80: {  	[sflag:s22] =	ssyncset.done $0x0  }
0x81: {  	[sflag:s22] =	ssyncadd.s32 $0xFFFFFF88  }
0x82: {  	[tilespmem:s31], [sflag:$0x2] =	stream.indirect.gather [hbm4b:s4+s25], $0x80, s29, s25, $0xb8;
	[tilespmem:$0x1C200] =	vst v63  }
0x83: {  	_ = 	snop  }
0x84: {  	[spmem:s1] =	stream.indirect.scatter.add.f32 [tilespmem:s26], [sflag:$0x3], $0x80, s24, s25, $0xb8;
	[tilespmem:$0x1C200] =	vst v63  }
0x85: {  	_ =	swait.ge [sflag:s0], $0x3C00  }
0x86: {  	[sflag:s0] =	ssyncset.done $0x0  }
0x87: {  	[sflag:s0] =	ssyncadd.s32 $0xFFFFC400  }
0x88: {  	_ =	swait.ge [sflag:s2], $0x3C00  }
0x89: {  	[sflag:s2] =	ssyncset.done $0x0  }
0x8a: {  	s10 =	sadd.s32 s6, s17;
	[sflag:s2] =	ssyncadd.s32 $0xFFFFC400  }
0x8b: {  	[tilespmem:s23], [sflag:$0x5] =	stream.linear.gather [hbm4b:s10+s3], $0x78, $0x38;
	[tilespmem:$0x1C200] =	vst v63  }
0x8c: {  	_ =	swait.ge [sflag:s22], $0x78  }
0x8d: {  	[sflag:s22] =	ssyncset.done $0x0  }
0x8e: {  	s6 =	sadd.s32 s6, s16;
	[sflag:s22] =	ssyncadd.s32 $0xFFFFFF88  }
0x8f: {  	[tilespmem:s24], [sflag:$0x5] =	stream.linear.gather [hbm4b:s6+s3], $0x78, $0x38;
	[tilespmem:$0x1C200] =	vst v63  }
.Ltmp1:
0x90: {  	_ = 	snop;
	(pc) =	sbr.rel @p0 .LBB2_4-.Ltmp1, $4  }
0x91: {  	_ =	swait.ge [sflag:s22], $0x78  }
0x92: {  	[sflag:s22] =	ssyncset.done $0x0  }
0x93: {  	[sflag:s22] =	ssyncadd.s32 $0xFFFFFF88  }
0x94: {  	[tilespmem:s26], [sflag:$0x1] =	stream.indirect.gather [hbm4b:s4+s25], $0x80, s23, s25, $0xb8;
	[tilespmem:$0x1C200] =	vst v63  }
0x95: {  	[spmem:s1] =	stream.indirect.scatter.add.f32 [tilespmem:s31], [sflag:$0x4], $0x80, s30, s25, $0xb8;
	[tilespmem:$0x1C200] =	vst v63  }
0x96: {  	_ =	swait.ge [sflag:s28], $0x3C00  }
0x97: {  	[sflag:s28] =	ssyncset.done $0x0  }
0x98: {  	[sflag:s28] =	ssyncadd.s32 $0xFFFFC400  }
0x99: {  	_ =	swait.ge [sflag:s5], $0x3C00  }
0x9a: {  	[sflag:s5] =	ssyncset.done $0x0  }
0x9b: {  	s6 =	simm.s32 $0x0;
	[sflag:s5] =	ssyncadd.s32 $0xFFFFC400  }
0x9c: {  	[tilespmem:s29], [sflag:$0x5] =	stream.linear.gather [hbm4b:s14+s6], $0x78, $0x38;
	[tilespmem:$0x1C200] =	vst v63  }
0x9d: {  	_ =	swait.ge [sflag:s22], $0x78  }
0x9e: {  	[sflag:s22] =	ssyncset.done $0x0  }
0x9f: {  	[sflag:s22] =	ssyncadd.s32 $0xFFFFFF88  }
0xa0: {  	[tilespmem:s30], [sflag:$0x5] =	stream.linear.gather [hbm4b:s15+s6], $0x78, $0x38;
	[tilespmem:$0x1C200] =	vst v63  }
0xa1: {  	_ =	swait.ge [sflag:s22], $0x78  }
0xa2: {  	[sflag:s22] =	ssyncset.done $0x0  }
0xa3: {  	[sflag:s22] =	ssyncadd.s32 $0xFFFFFF88  }
0xa4: {  	[tilespmem:s31], [sflag:$0x2] =	stream.indirect.gather [hbm4b:s4+s25], $0x80, s29, s25, $0xb8;
	[tilespmem:$0x1C200] =	vst v63  }
0xa5: {  	_ = 	snop  }
0xa6: {  	[spmem:s1] =	stream.indirect.scatter.add.f32 [tilespmem:s26], [sflag:$0x3], $0x80, s24, s25, $0xb8;
	[tilespmem:$0x1C200] =	vst v63  }
0xa7: {  	_ =	swait.ge [sflag:s0], $0x3C00  }
0xa8: {  	[sflag:s0] =	ssyncset.done $0x0  }
0xa9: {  	[sflag:s0] =	ssyncadd.s32 $0xFFFFC400  }
0xaa: {  	_ =	swait.ge [sflag:s2], $0x3C00  }
0xab: {  	[sflag:s2] =	ssyncset.done $0x0  }
0xac: {  	[sflag:s2] =	ssyncadd.s32 $0xFFFFC400  }
0xad: {  	[tilespmem:s23], [sflag:$0x5] =	stream.linear.gather [hbm4b:s14+s6], $0x78, $0x38;
	[tilespmem:$0x1C200] =	vst v63  }
0xae: {  	_ =	swait.ge [sflag:s22], $0x78  }
0xaf: {  	[sflag:s22] =	ssyncset.done $0x0  }
0xb0: {  	[sflag:s22] =	ssyncadd.s32 $0xFFFFFF88  }
0xb1: {  	[tilespmem:s24], [sflag:$0x5] =	stream.linear.gather [hbm4b:s15+s6], $0x78, $0x38;
	[tilespmem:$0x1C200] =	vst v63  }
0xb2: {  	_ =	swait.ge [sflag:s22], $0x78  }
0xb3: {  	[sflag:s22] =	ssyncset.done $0x0  }
0xb4: {  	[sflag:s22] =	ssyncadd.s32 $0xFFFFFF88  }
0xb5: {  	[tilespmem:s26], [sflag:$0x1] =	stream.indirect.gather [hbm4b:s4+s25], $0x80, s23, s25, $0xb8;
	[tilespmem:$0x1C200] =	vst v63  }
0xb6: {  	_ = 	snop  }
0xb7: {  	[spmem:s1] =	stream.indirect.scatter.add.f32 [tilespmem:s31], [sflag:$0x4], $0x80, s30, s25, $0xb8;
	[tilespmem:$0x1C200] =	vst v63  }
0xb8: {  	_ =	swait.ge [sflag:s28], $0x3C00  }
0xb9: {  	[sflag:s28] =	ssyncset.done $0x0  }
0xba: {  	[sflag:s28] =	ssyncadd.s32 $0xFFFFC400  }
0xbb: {  	_ =	swait.ge [sflag:s5], $0x3C00  }
0xbc: {  	[sflag:s5] =	ssyncset.done $0x0  }
0xbd: {  	[sflag:s5] =	ssyncadd.s32 $0xFFFFC400  }
0xbe: {  	[bflag:$0x0] =	sbarrier.arrive $0xFFFF  }
0xbf: {  	[tilespmem:s21], [sflag:$0x5] =	stream.linear.gather [spmem:s9], $0x800, $0x38;
	[tilespmem:$0x1C200] =	vst v63  }
0xc0: {  	_ =	swait.ge [sflag:s22], $0x800  }
0xc1: {  	[sflag:s22] =	ssyncset.done $0x0  }
0xc2: {  	s10 =	sadd.s32 $0x0, s20;
	[sflag:s22] =	ssyncadd.s32 $0xFFFFF800  }
0xc3: {  	[hbm4b:s10+s3] =	stream.linear.scatter [tilespmem:s21], [sflag:$0x5], $0x800, $0x38;
	[tilespmem:$0x1C200] =	vst v63  }
0xc4: {  	_ =	swait.ge [sflag:s22], $0x800  }
0xc5: {  	s8 =	simm.s32 $0x100;
	s6 =	smov.u32 s9;
	[sflag:s22] =	ssyncset.done $0x0  }
.LBB2_6:
0xc6: {  	p0 =	sne.s32 s8, $0x2700;
	[sflag:s22] =	ssyncadd.s32 $0xFFFFF800;
	s6 =	sadd.s32 $0x800, s6  }
0xc7: {  	[tilespmem:s21], [sflag:$0x5] =	stream.linear.gather [spmem:s6], $0x800, $0x38;
	[tilespmem:$0x1C200] =	vst v63  }
0xc8: {  	s10 =	smov.u32 s8;
	s8 =	sadd.s32 $0x100, s8;
	_ =	swait.ge [sflag:s22], $0x800  }
.Ltmp2:
0xc9: {  	[sflag:s22] =	ssyncset.done $0x0;
	(pc) =	sbr.rel @p0 .LBB2_6-.Ltmp2, $4  }
0xca: {  	s10 =	sadd.s32 s10, s20;
	[sflag:s22] =	ssyncadd.s32 $0xFFFFF800  }
0xcb: {  	[hbm4b:s10+s3] =	stream.linear.scatter [tilespmem:s21], [sflag:$0x5], $0x800, $0x38;
	[tilespmem:$0x1C200] =	vst v63  }
0xcc: {  	_ =	swait.ge [sflag:s22], $0x800  }
0xcd: {  	[sflag:s22] =	ssyncset.done $0x0  }
0xce: {  	s7 =	sadd.s32 $0x1, s7;
	s6 =	rddreg [dreg:$0x6]  }
0xcf: {  	p0 =	sne.s32 s7, s6  }
.Ltmp3:
0xd0: {  	_ = 	snop;
	(pc) =	sbr.rel @p0 .LBB2_1-.Ltmp3, $2  }
0xd1: {  	_ =	sdelay $0x2  }
0xd2: {  	[sflag:s22] =	ssyncadd.s32 $0xFFFFF800  }
0xd3: {  	_ =	sfence.sel $0x180000  }
0xd4: {  	[bflag:$0x0] =	sbarrier.arrive $0xFFFF  }
0xd5: {  	_ =	strace $0x9000004D  }
0xd6: {  	s0 =	stileid.u32;
	[bflag:$0x2] =	sbarrier.arrive $0xFFFF  }
0xd7: {  	p0 =	sne.s32 s0, $0x0;
	s0 =	rddreg [dreg:$0x2]  }
0xd8: {  	s0 =	sadd.s32 @!p0 $0x100000, s0  }
0xd9: {  	[sflag:s0] =	ssyncadd.tile.s32 @!p0 $0x1;
	_ =	shalt  }
.Lfunc_end2:
_tile_overlayer_lowered:
.L_overlay_start_2:
0xda: {  	(tag) =	ssettag $0x2  }
0xdb: {  	s0 =	rddreg [dreg:$0x0];
	s2 =	stileid.u32  }
0xdc: {  	s1 =	rddreg [dreg:$0x1];
	p0 =	sne.s32 s2, $0x0  }
0xdd: {  	s3 =	rddreg [dreg:$0x2];
	[bflag:$0x3] =	sbarrier.arrive $0xFFFF;
	s2 =	simm.s32 @!p0 $0x1C05  }
0xde: {  	[timem:s3], [sflag:s2] =	dma.local @!p0 [hbm:s0], s1  }
0xdf: {  	s0 =	simm.s32 @!p0 $0x5  }
0xe0: {  	_ =	swait.ge @!p0 [sflag:s0], s1  }
0xe1: {  	s1 =	ssub.s32 @!p0 $0x0, s1;
	[sflag:s0] =	ssyncset.done @!p0 $0x0  }
0xe2: {  	[sflag:s0] =	ssyncadd.s32 @!p0 s1  }
0xe3: {  	[bflag:$0x3] =	sbarrier.arrive $0xFFFF  }
0xe4: {  	_ =	shalt  }

// kernel: kernel.7.cloned.1.call-start
scs
__scs_entry_jumppad:
0x0: {  	(pc) =	sbr.rel $0x88, $3  }
0x1: {  	(tag) =	ssettag $0x0;
	lr =	simm.s32 $0x1  }
0x2: {  	[smem:$0x3F99] =	sst lr;
	_ =	strace $0xD0000000  }
0x3: {  	_ = 	snop  }
0x4: {  	_ = 	snop  }
0x5: {  	_ = 	snop  }
0x6: {  	_ = 	snop  }
0x7: {  	_ = 	snop  }
__scs_overlays_trampoline_lowered:
0x8: {  	[smem:$0x3FA8] =	sst s0  }
0x9: {  	[smem:$0x3FA9] =	sst s1  }
0xa: {  	[smem:$0x3FAA] =	sst s2  }
0xb: {  	[smem:$0x3FAB] =	sst s3  }
0xc: {  	[smem:$0x3FAC] =	sst s4  }
0xd: {  	[smem:$0x3FAD] =	sst s5  }
0xe: {  	[smem:$0x3FAE] =	sst s6  }
0xf: {  	[smem:$0x3FAF] =	sst s7  }
0x10: {  	[smem:$0x3FB0] =	sst s8  }
0x11: {  	[smem:$0x3FB1] =	sst s9;
	s0 =	simm.s32 @!p0 $0x0  }
0x12: {  	s1 =	sld [smem:$0x3F97];
	s0 =	simm.s32 @p0 $0x1  }
0x13: {  	[smem:$0x3FB2] =	sst s0;
	s0 =	simm.s32 @!p1 $0x0  }
0x14: {  	s2 =	sld [smem:$0x3F96];
	s0 =	simm.s32 @p1 $0x1  }
0x15: {  	[smem:$0x3FB3] =	sst s0;
	s0 =	simm.s32 @!p2 $0x0  }
0x16: {  	s3 =	sld [smem:$0x3FDB];
	s0 =	simm.s32 @p2 $0x1  }
0x17: {  	s4 =	simm.s32 $0x1BF5;
	[smem:$0x3FB5] =	sst s0  }
0x18: {  	s0 =	sld [smem:$0x3F98];
	_ =	swait.ge [sflag:s4], $0x0  }
0x19: {  	s7 =	sld [smem:$0x3F99]  }
0x1a: {  	s8 =	sadd.s32 $0xFFFFE003, lr  }
0x1b: {  	s9 =	sadd.s32 $0xFFFFFEF7, lr;
	s5 =	simm.s32 $0xFFFFFFFF;
	p2 =	slt.u32 s8, $0xFFFFF086  }
0x1c: {  	p1 =	slt.u32 s9, $0xF7A;
	s5 =	simm.s32 @!p2 $0x0  }
0x1d: {  	s5 =	simm.s32 @p1 $0x1;
	p0 =	seq.s32 s7, s2  }
0x1e: {  	s7 =	smul.u32 @!p0 $0xF7A, s2;
	p2 =	seq.s32 @!p0 s5, $0x0  }
0x1f: {  	s9 =	smul.u32 $0xF7A, s1;
	s8 =	simm.s32 @!p0 $0x1BF5;
	p2 =	por !p2, p0  }
0x20: {  	[sflag:s8] =	ssyncset.s32 @!p0 $0xFFFFF086;
	s6 =	sadd.s32 @!p0 s3, s7;
	s7 =	simm.s32 @!p0 $0x108  }
0x21: {  	s3 =	sadd.s32 s3, s9;
	s6 =	sadd.s32 @!p0 $0x88, s6;
	s7 =	simm.s32 @p2 $0x1082  }
0x22: {  	[simem:s7], [sflag:s8] =	dma.local @!p0 [hbm:s6], $0xF7A  }
0x23: {  	s9 =	sor.u32 $0xD0000000, s2;
	s6 =	simm.s32 $0x108;
	_ =	swait.ge @!p0 [sflag:s8], $0x0  }
0x24: {  	s3 =	sadd.s32 $0x88, s3;
	s6 =	simm.s32 @!p1 $0x1082;
	[sflag:s4] =	ssyncset.s32 $0xFFFFF086  }
0x25: {  	[simem:s6], [sflag:s4] =	dma.local [hbm:s3], $0xF7A  }
0x26: {  	[smem:$0x3F99] =	sst s1;
	(tag) =	ssettag s2;
	_ =	strace s9  }
0x27: {  	s1 =	sld [smem:$0x3FA9]  }
0x28: {  	s2 =	sld [smem:$0x3FAA]  }
0x29: {  	s4 =	sld [smem:$0x3FAC]  }
0x2a: {  	p0 =	seq.s32 s5, $0x0;
	s5 =	sld [smem:$0x3FAD]  }
0x2b: {  	s6 =	sld [smem:$0x3FAE]  }
0x2c: {  	s7 =	sld [smem:$0x3FAF]  }
0x2d: {  	s3 =	simm.s32 $0x108;
	s8 =	sld [smem:$0x3FB0]  }
0x2e: {  	s3 =	simm.s32 @!p0 $0x1082;
	s9 =	sld [smem:$0x3FB1]  }
0x2f: {  	lr =	sadd.s32 s0, s3;
	s0 =	sld [smem:$0x3FA8]  }
0x30: {  	s3 =	sld [smem:$0x3FAB]  }
0x31: {  	[smem:$0x3FB4] =	sst s10  }
0x32: {  	s10 =	sld [smem:$0x3FB2];
	_ =	sdelay $0x3  }
0x33: {  	p0 =	seq.s32 s10, $0x1;
	s10 =	sld [smem:$0x3FB4];
	_ =	sdelay $0x3  }
0x34: {  	[smem:$0x3FB4] =	sst s10  }
0x35: {  	s10 =	sld [smem:$0x3FB3];
	_ =	sdelay $0x3  }
0x36: {  	p1 =	seq.s32 s10, $0x1;
	s10 =	sld [smem:$0x3FB4];
	_ =	sdelay $0x3  }
0x37: {  	[smem:$0x3FB4] =	sst s10  }
0x38: {  	s10 =	sld [smem:$0x3FB5]  }
0x39: {  	_ = 	snop;
	(pc) =	sbr.ind lr, $3  }
0x3a: {  	_ = 	snop  }
0x3b: {  	_ = 	snop  }
0x3c: {  	p2 =	seq.s32 s10, $0x1;
	s10 =	sld [smem:$0x3FB4]  }
0x3d: {  	_ =	shalt  }
0x3e: {  	_ =	shalt  }
0x3f: {  	_ =	shalt  }
0x40: {  	_ =	shalt  }
0x41: {  	_ =	shalt  }
0x42: {  	_ =	shalt  }
0x43: {  	_ =	shalt  }
0x44: {  	_ =	shalt  }
0x45: {  	_ =	shalt  }
0x46: {  	_ =	shalt  }
0x47: {  	_ =	shalt  }
0x48: {  	_ =	shalt  }
0x49: {  	_ =	shalt  }
0x4a: {  	_ =	shalt  }
0x4b: {  	_ =	shalt  }
0x4c: {  	_ =	shalt  }
0x4d: {  	_ =	shalt  }
0x4e: {  	_ =	shalt  }
0x4f: {  	_ =	shalt  }
0x50: {  	_ =	shalt  }
0x51: {  	_ =	shalt  }
0x52: {  	_ =	shalt  }
0x53: {  	_ =	shalt  }
0x54: {  	_ =	shalt  }
0x55: {  	_ =	shalt  }
0x56: {  	_ =	shalt  }
0x57: {  	_ =	shalt  }
0x58: {  	_ =	shalt  }
0x59: {  	_ =	shalt  }
0x5a: {  	_ =	shalt  }
0x5b: {  	_ =	shalt  }
0x5c: {  	_ =	shalt  }
0x5d: {  	_ =	shalt  }
0x5e: {  	_ =	shalt  }
0x5f: {  	_ =	shalt  }
0x60: {  	_ =	shalt  }
0x61: {  	_ =	shalt  }
0x62: {  	_ =	shalt  }
0x63: {  	_ =	shalt  }
0x64: {  	_ =	shalt  }
0x65: {  	_ =	shalt  }
0x66: {  	_ =	shalt  }
0x67: {  	_ =	shalt  }
0x68: {  	_ =	shalt  }
0x69: {  	_ =	shalt  }
0x6a: {  	_ =	shalt  }
0x6b: {  	_ =	shalt  }
0x6c: {  	_ =	shalt  }
0x6d: {  	_ =	shalt  }
0x6e: {  	_ =	shalt  }
0x6f: {  	_ =	shalt  }
0x70: {  	_ =	shalt  }
0x71: {  	_ =	shalt  }
0x72: {  	_ =	shalt  }
0x73: {  	_ =	shalt  }
0x74: {  	_ =	shalt  }
0x75: {  	_ =	shalt  }
0x76: {  	_ =	shalt  }
0x77: {  	_ =	shalt  }
0x78: {  	_ =	shalt  }
0x79: {  	_ =	shalt  }
0x7a: {  	_ =	shalt  }
0x7b: {  	_ =	shalt  }
0x7c: {  	_ =	shalt  }
0x7d: {  	_ =	shalt  }
0x7e: {  	_ =	shalt  }
0x7f: {  	_ =	shalt  }
0x80: {  	_ =	shalt  }
0x81: {  	_ =	shalt  }
0x82: {  	_ =	shalt  }
0x83: {  	_ =	shalt  }
0x84: {  	_ =	shalt  }
0x85: {  	_ =	shalt  }
0x86: {  	_ =	shalt  }
0x87: {  	_ =	shalt  }
.Lfunc_end0:
.L_simem_size_0:
called_computation_lowered:
.L_overlay_start_0:
0x88: {  	s2 =	sld [smem:$0x3FD9]  }
0x89: {  	s3 =	sld [smem:$0x3FFE];
	_ =	sdelay $0x1  }
0x8a: {  	s1 =	srdreg.scid  }
0x8b: {  	s0 =	sand.u32 $0x1, s1  }
0x8c: {  	s17 =	sshll.u32 s0, $0xA;
	s2 =	sadd.s32 s3, s2  }
0x8d: {  	s2 =	sadd.s32 s2, s17  }
0x8e: {  	[smem:$0x3FC0] =	sst s2  }
0x8f: {  	_ = 	snop  }
0x90: {  	s18 =	sld [smem:$0x3FD0];
	(tm) =	ssettm $0x1  }
0x91: {  	s19 =	sld [smem:$0x3FFB];
	_ =	sdelay $0x3  }
0x92: {  	_ =	strace s19  }
0x93: {  	s2 =	sld [smem:$0x3FFC];
	_ =	sdelay $0x3  }
0x94: {  	_ =	strace s2  }
0x95: {  	s2 =	sld [smem:$0x3FFD];
	_ =	sdelay $0x3  }
0x96: {  	_ =	strace s2  }
0x97: {  	_ =	strace $0x8FFFFFFF  }
0x98: {  	s20 =	sld [smem:$0x3FDB];
	_ =	sdelay $0x1  }
0x99: {  	s4 =	simm.s32 $_scs_section_size  }
0x9a: {  	s5 =	simm.s32 $_size__tile_overlayer_lowered;
	s6 =	simm.s32 $_tile_overlayer_lowered  }
0x9b: {  	s7 =	simm.s32 $0x1BFF;
	s21 =	sshll.u32 s6, $0x1;
	s4 =	sadd.s32 s4, s20  }
0x9c: {  	s22 =	simm.s32 $0x0;
	s5 =	sshll.u32 s5, $0x1;
	s6 =	sadd.s32 s21, s4  }
0x9d: {  	[timem:s22], [sflag:s7] =	dma.local [hbm:s6], s5  }
0x9e: {  	_ =	swait.ge [sflag:s7], s5  }
0x9f: {  	s5 =	ssub.s32 $0x0, s5;
	[sflag:s7] =	ssyncset.done $0x0  }
0xa0: {  	[sflag:s7] =	ssyncadd.s32 s5;
	_ =	sdelay $0x1  }
0xa1: {  	s23 =	simm.s32 $0x1B8B  }
0xa2: {  	_ =	swait.ge [sflag:s23], $0x1  }
0xa3: {  	[sflag:s23] =	ssyncset.done $0x0  }
0xa4: {  	[sflag:s23] =	ssyncadd.s32 $0xFFFFFFFF  }
0xa5: {  	s5 =	sld [smem:$0x0]  }
0xa6: {  	s6 =	sand.u32 $0xFFFFFFFE, s1  }
0xa7: {  	p0 =	sne.s32 s1, s6  }
0xa8: {  	s6 =	sshll.u32 @p0 s6, $0xE  }
0xa9: {  	s6 =	sadd.s32 @p0 $0x11B8D, s6;
	s7 =	sshll.u32 @p0 s5, $0x11  }
0xaa: {  	s6 =	sor.u32 @p0 s7, s6  }
0xab: {  	[sflag:s6] =	ssyncadd.remote.s32 @p0 $0x1;
	_ =	sdelay $0x1  }
0xac: {  	s6 =	simm.s32 @p0 $0x1B8D  }
0xad: {  	_ =	swait.eq @p0 [sflag:s6], $0x1  }
0xae: {  	[sflag:s6] =	ssyncadd.s32 @p0 $0xFFFFFFFF  }
0xaf: {  	s7 =	sshll.u32 @!p0 s1, $0xE  }
0xb0: {  	s7 =	sor.u32 @!p0 $0x4000, s7;
	s6 =	simm.s32 @!p0 $0x1B8D  }
0xb1: {  	s5 =	sshll.u32 @!p0 s5, $0x11;
	s7 =	sadd.s32 @!p0 $0x11B8D, s7;
	_ =	swait.eq @!p0 [sflag:s6], $0x1  }
0xb2: {  	s5 =	sor.u32 @!p0 s5, s7;
	[sflag:s6] =	ssyncadd.s32 @!p0 $0xFFFFFFFF  }
0xb3: {  	s25 =	simm.s32 $0x1B8E;
	s24 =	sld [smem:$0x3FFE];
	[sflag:s5] =	ssyncadd.remote.s32 @!p0 $0x1  }
0xb4: {  	s26 =	simm.s32 $execute0_lowered;
	[smem:$0x3FD2] =	sst s25  }
0xb5: {  	s6 =	sshll.u32 s26, $0x1;
	_ =	strace $0x80000049;
	[dreg:$0x1] =	wrdreg $0xFFFFFFFF  }
0xb6: {  	s28 =	simm.s32 $_size_execute0_lowered;
	s4 =	sadd.s32 s4, s6;
	[dreg:$0x0] =	wrdreg $0x0  }
0xb7: {  	s6 =	sshll.u32 s28, $0x1;
	[dreg:$0x2] =	wrdreg s4  }
0xb8: {  	[dreg:$0x3] =	wrdreg s6  }
0xb9: {  	[dreg:$0x4] =	wrdreg $0xC0  }
0xba: {  	_ =	task [dreg:s22], $0x5FFFF  }
0xbb: {  	[dreg:$0x1] =	wrdreg $0xFFFFFFFF  }
0xbc: {  	[dreg:$0x0] =	wrdreg $0x60  }
0xbd: {  	[dreg:$0x2] =	wrdreg s24  }
0xbe: {  	[dreg:$0x3] =	wrdreg s18  }
0xbf: {  	[dreg:$0x4] =	wrdreg $0x0  }
0xc0: {  	[dreg:$0x5] =	wrdreg $0x9  }
0xc1: {  	_ =	task.clear_ibuf [dreg:s22], $0x6FFFF;
	_ =	strace $0x90000049  }
0xc2: {  	s29 =	simm.s32 $0x9;
	_ =	strace $0x8000004B  }
0xc3: {  	_ =	swait.ge [sflag:s29], $0x1  }
0xc4: {  	[sflag:s29] =	ssyncadd.s32 $0xFFFFFFFF  }
0xc5: {  	_ =	strace $0x9000004B  }
0xc6: {  	_ =	sfence  }
0xc7: {  	s30 =	sld [smem:$0x0];
	_ =	sdelay $0x2  }
0xc8: {  	s31 =	sshll.u32 s1, $0xD;
	s1 =	sshrl.u32 s1, $0x2  }
0xc9: {  	s4 =	sand.u32 $0x4000, s31;
	s1 =	sadd.s32 s1, s30  }
0xca: {  	s0 =	sor.u32 s4, s0;
	s1 =	sshll.u32 s1, $0x11  }
0xcb: {  	s0 =	sor.u32 s1, s0  }
0xcc: {  	s0 =	sadd.s32 $0x8F2B, s0  }
0xcd: {  	[sflag:s0] =	ssyncadd.remote.s32 $0x1  }
0xce: {  	_ =	sfence.sel $0xFFFF  }
0xcf: {  	[dreg:$0x0] =	wrdreg $0xFFFFFFFF;
	(pc) =	sbr.abs _section_cstart, $3  }
0xd0: {  	[dreg:$0x1] =	wrdreg $0xFFFFFFFF  }
0xd1: {  	_ =	task.clear_ibuf [dreg:s22], $0x2FFFF;
	_ =	strace $0x9FFFFFFF  }
0xd2: {  	(tm) =	ssettm $0x7FFFFFFF  }
0xd3: {  	_ =	shalt  }
tec
execute0_lowered:
.L_overlay_start_1:
0x0: {  	(tag) =	ssettag $0x1  }
0x1: {  	s6 =	rddreg [dreg:$0x0]  }
0x2: {  	s1 =	rddreg [dreg:$0x1]  }
0x3: {  	s2 =	rddreg [dreg:$0x2]  }
0x4: {  	s3 =	srdreg.scid;
	s0 =	rddreg [dreg:$0x3]  }
0x5: {  	s4 =	simm.s32 $0x0;
	s17 =	simm.s32 $0x14100;
	s18 =	simm.s32 $0x14000  }
0x6: {  	s19 =	simm.s32 $0x1;
	s20 =	simm.s32 $0x14080;
	s21 =	simm.s32 $0x70  }
0x7: {  	s22 =	simm.s32 $0x2;
	s23 =	simm.s32 $0x3;
	s7 =	sand.u32 $0x1, s3  }
0x8: {  	s24 =	simm.s32 $0x4;
	s3 =	stileid.u32;
	s5 =	smul.u32 $0x140000, s7  }
0x9: {  	s25 =	simm.s32 $0x0;
	[smem:$0x7FF] =	sst s4;
	s8 =	smul.u32 $0x14000, s3  }
0xa: {  	s13 =	sadd.s32 $0x2800, s6;
	_ =	strace $0x8000004A;
	s10 =	smul.u32 $0x50000, s3  }
0xb: {  	s9 =	sshll.u32 s3, $0x1;
	s28 =	ssub.s32 $0x2, s7;
	s11 =	smul.u32 $0x4EC0, s3  }
0xc: {  	s12 =	smul.u32 $0x2760, s7;
	s9 =	sor.u32 s7, s9;
	s29 =	sshrl.u32 s28, $0x1  }
0xd: {  	s8 =	sadd.s32 s8, s5;
	s5 =	sadd.s32 $0x16400, s6;
	s9 =	smul.u32 $0x2760, s9  }
0xe: {  	s10 =	sshrl.u32 s10, $0x2;
	s31 =	sadd.s32 s12, s11;
	s8 =	sshrl.u32 s8, $0x3  }
0xf: {  	s11 =	sadd.s32 $0x1C0, s31;
	s12 =	sadd.s32 $0x150, s31;
	s14 =	sadd.s32 s8, s6  }
0x10: {  	s8 =	ssub.s32 s28, s29;
	s6 =	sadd.s32 s10, s2;
	s30 =	sshrl.u32 s9, $0x3  }
0x11: {  	s15 =	sshrl.u32 s11, $0x3;
	s16 =	sshrl.u32 s12, $0x3;
	s7 =	sadd.s32 s13, s30  }
0x12: {  	s8 =	smax.u32 s8, $0x1;
	s12 =	sadd.s32 s15, s13;
	s13 =	sadd.s32 s16, s13  }
0x13: {  	s14 =	sadd.s32 $0x66600, s14;
	s15 =	simm.s32 $0x17900;
	s16 =	simm.s32 $0x5  }
0x14: {  	s9 =	sadd.s32 $0xE, s7;
	s10 =	sadd.s32 $0x1C, s7;
	s11 =	sadd.s32 $0x4DE, s7  }
.LBB2_1:
0x15: {  	[tilespmem:s15], [sflag:$0x5] =	stream.linear.gather [hbm4b:s5+s4], $0x800, $0x38;
	[tilespmem:$0x18100] =	vst v63  }
0x16: {  	_ =	swait.ge [sflag:s16], $0x800  }
0x17: {  	[sflag:s16] =	ssyncset.done $0x0  }
0x18: {  	s26 =	sadd.s32 $0x0, s6;
	[sflag:s16] =	ssyncadd.s32 $0xFFFFF800  }
0x19: {  	[spmem:s26] =	stream.linear.scatter [tilespmem:s15], [sflag:$0x5], $0x800, $0x38;
	[tilespmem:$0x18100] =	vst v63  }
0x1a: {  	s26 =	simm.s32 $0x2000;
	_ =	swait.ge [sflag:s16], $0x800  }
.LBB2_2:
0x1b: {  	s28 =	sshra.s32 s26, $0x2;
	[sflag:s16] =	ssyncset.done $0x0;
	p0 =	sne.s32 s26, $0x4E000  }
.Ltmp0:
0x1c: {  	s28 =	sadd.s32 s28, s6;
	[sflag:s16] =	ssyncadd.s32 $0xFFFFF800;
	(pc) =	sbr.rel @p0 .LBB2_2-.Ltmp0, $3  }
0x1d: {  	[spmem:s28] =	stream.linear.scatter [tilespmem:s15], [sflag:$0x5], $0x800, $0x38;
	[tilespmem:$0x18100] =	vst v63  }
0x1e: {  	s26 =	sadd.s32 $0x2000, s26;
	_ =	sdelay $0x1  }
0x1f: {  	_ =	swait.ge [sflag:s16], $0x800  }
0x20: {  	[sflag:s16] =	ssyncset.done $0x0  }
0x21: {  	s26 =	simm.s32 $0x0;
	[sflag:s16] =	ssyncadd.s32 $0xFFFFF800  }
0x22: {  	[tilespmem:s17], [sflag:$0x5] =	stream.linear.gather [hbm4b:s1+s26], $0x3800, $0x38;
	[tilespmem:$0x18100] =	vst v63  }
0x23: {  	_ =	swait.ge [sflag:s16], $0x3800  }
0x24: {  	[sflag:s16] =	ssyncset.done $0x0  }
0x25: {  	[sflag:s16] =	ssyncadd.s32 $0xFFFFC800  }
0x26: {  	[bflag:$0x0] =	sbarrier.arrive $0xFFFF  }
0x27: {  	[tilespmem:s18], [sflag:$0x1] =	stream.linear.gather [hbm4b:s7+s26], $0x70, $0x38;
	[tilespmem:$0x18100] =	vst v63  }
0x28: {  	_ =	swait.ge [sflag:s19], $0x70  }
0x29: {  	[sflag:s19] =	ssyncset.done $0x0  }
0x2a: {  	[sflag:s19] =	ssyncadd.s32 $0xFFFFFF90  }
0x2b: {  	[tilespmem:s20], [sflag:$0x2] =	stream.linear.gather [hbm4b:s9+s26], $0x70, $0x38;
	[tilespmem:$0x18100] =	vst v63  }
0x2c: {  	_ = 	snop  }
0x2d: {  	[spmem:s2] =	stream.indirect.scatter.add.f32 [tilespmem:s17], [sflag:$0x3], $0x80, s18, s21, $0xb8;
	[tilespmem:$0x18100] =	vst v63  }
0x2e: {  	_ =	swait.ge [sflag:s22], $0x70  }
0x2f: {  	[sflag:s22] =	ssyncset.done $0x0  }
0x30: {  	[sflag:s22] =	ssyncadd.s32 $0xFFFFFF90  }
0x31: {  	_ =	swait.ge [sflag:s23], $0x3800  }
0x32: {  	[sflag:s23] =	ssyncset.done $0x0  }
0x33: {  	[sflag:s23] =	ssyncadd.s32 $0xFFFFC800  }
0x34: {  	[tilespmem:s18], [sflag:$0x1] =	stream.linear.gather [hbm4b:s10+s26], $0x70, $0x38;
	[tilespmem:$0x18100] =	vst v63  }
0x35: {  	_ = 	snop  }
0x36: {  	[spmem:s2] =	stream.indirect.scatter.add.f32 [tilespmem:s17], [sflag:$0x4], $0x80, s20, s21, $0xb8;
	[tilespmem:$0x18100] =	vst v63  }
0x37: {  	_ =	swait.ge [sflag:s19], $0x70  }
0x38: {  	[sflag:s19] =	ssyncset.done $0x0  }
0x39: {  	[sflag:s19] =	ssyncadd.s32 $0xFFFFFF90  }
0x3a: {  	_ =	swait.ge [sflag:s24], $0x3800  }
0x3b: {  	[sflag:s24] =	ssyncset.done $0x0  }
0x3c: {  	s30 =	sadd.s32 $0x0, s13;
	[sflag:s24] =	ssyncadd.s32 $0xFFFFC800  }
0x3d: {  	[tilespmem:s20], [sflag:$0x2] =	stream.linear.gather [hbm4b:s30+s4], $0x70, $0x38;
	[tilespmem:$0x18100] =	vst v63  }
0x3e: {  	_ = 	snop  }
0x3f: {  	[spmem:s2] =	stream.indirect.scatter.add.f32 [tilespmem:s17], [sflag:$0x3], $0x80, s18, s21, $0xb8;
	[tilespmem:$0x18100] =	vst v63  }
0x40: {  	_ =	swait.ge [sflag:s22], $0x70  }
0x41: {  	[sflag:s22] =	ssyncset.done $0x0  }
0x42: {  	[sflag:s22] =	ssyncadd.s32 $0xFFFFFF90  }
0x43: {  	_ =	swait.ge [sflag:s23], $0x3800  }
0x44: {  	[sflag:s23] =	ssyncset.done $0x0  }
0x45: {  	s31 =	sadd.s32 $0x0, s12;
	s26 =	simm.s32 $0x1C;
	[sflag:s23] =	ssyncadd.s32 $0xFFFFC800  }
0x46: {  	[tilespmem:s18], [sflag:$0x1] =	stream.linear.gather [hbm4b:s31+s4], $0x70, $0x38;
	[tilespmem:$0x18100] =	vst v63  }
.LBB2_4:
0x47: {  	[spmem:s2] =	stream.indirect.scatter.add.f32 [tilespmem:s17], [sflag:$0x4], $0x80, s20, s21, $0xb8;
	[tilespmem:$0x18100] =	vst v63  }
0x48: {  	s28 =	smov.u32 s26  }
0x49: {  	p0 =	sne.s32 s26, $0x498;
	s26 =	sadd.s32 $0x1C, s26;
	_ =	swait.ge [sflag:s19], $0x70  }
0x4a: {  	[sflag:s19] =	ssyncset.done $0x0  }
0x4b: {  	[sflag:s19] =	ssyncadd.s32 $0xFFFFFF90  }
0x4c: {  	_ =	swait.ge [sflag:s24], $0x3800  }
0x4d: {  	[sflag:s24] =	ssyncset.done $0x0  }
0x4e: {  	s29 =	sadd.s32 s28, s13;
	[sflag:s24] =	ssyncadd.s32 $0xFFFFC800  }
0x4f: {  	[tilespmem:s20], [sflag:$0x2] =	stream.linear.gather [hbm4b:s29+s4], $0x70, $0x38;
	[tilespmem:$0x18100] =	vst v63  }
0x50: {  	_ = 	snop  }
0x51: {  	[spmem:s2] =	stream.indirect.scatter.add.f32 [tilespmem:s17], [sflag:$0x3], $0x80, s18, s21, $0xb8;
	[tilespmem:$0x18100] =	vst v63  }
0x52: {  	_ =	swait.ge [sflag:s22], $0x70  }
0x53: {  	[sflag:s22] =	ssyncset.done $0x0  }
.Ltmp1:
0x54: {  	[sflag:s22] =	ssyncadd.s32 $0xFFFFFF90;
	(pc) =	sbr.rel @p0 .LBB2_4-.Ltmp1, $4  }
0x55: {  	_ =	swait.ge [sflag:s23], $0x3800  }
0x56: {  	[sflag:s23] =	ssyncset.done $0x0  }
0x57: {  	s28 =	sadd.s32 s28, s12;
	[sflag:s23] =	ssyncadd.s32 $0xFFFFC800  }
0x58: {  	[tilespmem:s18], [sflag:$0x1] =	stream.linear.gather [hbm4b:s28+s4], $0x70, $0x38;
	[tilespmem:$0x18100] =	vst v63  }
0x59: {  	[spmem:s2] =	stream.indirect.scatter.add.f32 [tilespmem:s17], [sflag:$0x4], $0x80, s20, s21, $0xb8;
	[tilespmem:$0x18100] =	vst v63  }
0x5a: {  	_ =	swait.ge [sflag:s19], $0x70  }
0x5b: {  	[sflag:s19] =	ssyncset.done $0x0  }
0x5c: {  	[sflag:s19] =	ssyncadd.s32 $0xFFFFFF90  }
0x5d: {  	_ =	swait.ge [sflag:s24], $0x3800  }
0x5e: {  	[sflag:s24] =	ssyncset.done $0x0  }
0x5f: {  	s26 =	simm.s32 $0x0;
	[sflag:s24] =	ssyncadd.s32 $0xFFFFC800  }
0x60: {  	[tilespmem:s20], [sflag:$0x2] =	stream.linear.gather [hbm4b:s11+s26], $0x70, $0x38;
	[tilespmem:$0x18100] =	vst v63  }
0x61: {  	_ = 	snop  }
0x62: {  	[spmem:s2] =	stream.indirect.scatter.add.f32 [tilespmem:s17], [sflag:$0x3], $0x80, s18, s21, $0xb8;
	[tilespmem:$0x18100] =	vst v63  }
0x63: {  	_ =	swait.ge [sflag:s22], $0x70  }
0x64: {  	[sflag:s22] =	ssyncset.done $0x0  }
0x65: {  	[sflag:s22] =	ssyncadd.s32 $0xFFFFFF90  }
0x66: {  	_ =	swait.ge [sflag:s23], $0x3800  }
0x67: {  	[sflag:s23] =	ssyncset.done $0x0  }
0x68: {  	[sflag:s23] =	ssyncadd.s32 $0xFFFFC800  }
0x69: {  	[tilespmem:s18], [sflag:$0x1] =	stream.linear.gather [hbm4b:s11+s26], $0x70, $0x38;
	[tilespmem:$0x18100] =	vst v63  }
0x6a: {  	_ = 	snop  }
0x6b: {  	[spmem:s2] =	stream.indirect.scatter.add.f32 [tilespmem:s17], [sflag:$0x4], $0x80, s20, s21, $0xb8;
	[tilespmem:$0x18100] =	vst v63  }
0x6c: {  	_ =	swait.ge [sflag:s19], $0x70  }
0x6d: {  	[sflag:s19] =	ssyncset.done $0x0  }
0x6e: {  	[sflag:s19] =	ssyncadd.s32 $0xFFFFFF90  }
0x6f: {  	_ =	swait.ge [sflag:s24], $0x3800  }
0x70: {  	[sflag:s24] =	ssyncset.done $0x0  }
0x71: {  	[sflag:s24] =	ssyncadd.s32 $0xFFFFC800  }
0x72: {  	[bflag:$0x0] =	sbarrier.arrive $0xFFFF  }
0x73: {  	[tilespmem:s15], [sflag:$0x5] =	stream.linear.gather [spmem:s6], $0x800, $0x38;
	[tilespmem:$0x18100] =	vst v63  }
0x74: {  	_ =	swait.ge [sflag:s16], $0x800  }
0x75: {  	[sflag:s16] =	ssyncset.done $0x0  }
0x76: {  	s31 =	sadd.s32 $0x0, s14;
	[sflag:s16] =	ssyncadd.s32 $0xFFFFF800  }
0x77: {  	[hbm4b:s31+s4] =	stream.linear.scatter [tilespmem:s15], [sflag:$0x5], $0x800, $0x38;
	[tilespmem:$0x18100] =	vst v63  }
0x78: {  	_ =	swait.ge [sflag:s16], $0x800  }
0x79: {  	s28 =	smov.u32 s6;
	s26 =	simm.s32 $0x100;
	[sflag:s16] =	ssyncset.done $0x0  }
.LBB2_6:
0x7a: {  	p0 =	sne.s32 s26, $0x2700;
	[sflag:s16] =	ssyncadd.s32 $0xFFFFF800;
	s28 =	sadd.s32 $0x800, s28  }
0x7b: {  	[tilespmem:s15], [sflag:$0x5] =	stream.linear.gather [spmem:s28], $0x800, $0x38;
	[tilespmem:$0x18100] =	vst v63  }
0x7c: {  	s29 =	smov.u32 s26;
	s26 =	sadd.s32 $0x100, s26;
	_ =	swait.ge [sflag:s16], $0x800  }
.Ltmp2:
0x7d: {  	[sflag:s16] =	ssyncset.done $0x0;
	(pc) =	sbr.rel @p0 .LBB2_6-.Ltmp2, $4  }
0x7e: {  	s29 =	sadd.s32 s29, s14;
	[sflag:s16] =	ssyncadd.s32 $0xFFFFF800  }
0x7f: {  	[hbm4b:s29+s4] =	stream.linear.scatter [tilespmem:s15], [sflag:$0x5], $0x800, $0x38;
	[tilespmem:$0x18100] =	vst v63  }
0x80: {  	_ =	swait.ge [sflag:s16], $0x800  }
0x81: {  	[sflag:s16] =	ssyncset.done $0x0  }
0x82: {  	s25 =	sadd.s32 $0x1, s25  }
0x83: {  	p0 =	sne.s32 s25, s8  }
.Ltmp3:
0x84: {  	_ = 	snop;
	(pc) =	sbr.rel @p0 .LBB2_1-.Ltmp3, $2  }
0x85: {  	_ =	sdelay $0x2  }
0x86: {  	[sflag:s16] =	ssyncadd.s32 $0xFFFFF800  }
0x87: {  	_ =	sfence.sel $0x180000  }
0x88: {  	[bflag:$0x0] =	sbarrier.arrive $0xFFFF  }
0x89: {  	p0 =	sne.s32 s3, $0x0;
	_ =	strace $0x9000004A  }
0x8a: {  	s0 =	sadd.s32 @!p0 $0x100000, s0;
	[bflag:$0x2] =	sbarrier.arrive $0xFFFF  }
0x8b: {  	[sflag:s0] =	ssyncadd.tile.s32 @!p0 $0x1;
	_ =	shalt  }
.Lfunc_end2:
_tile_overlayer_lowered:
.L_overlay_start_2:
0x8c: {  	(tag) =	ssettag $0x2  }
0x8d: {  	s0 =	rddreg [dreg:$0x0];
	s2 =	stileid.u32  }
0x8e: {  	s1 =	rddreg [dreg:$0x1];
	p0 =	sne.s32 s2, $0x0  }
0x8f: {  	s3 =	rddreg [dreg:$0x2];
	[bflag:$0x3] =	sbarrier.arrive $0xFFFF;
	s2 =	simm.s32 @!p0 $0x1C05  }
0x90: {  	[timem:s3], [sflag:s2] =	dma.local @!p0 [hbm:s0], s1  }
0x91: {  	s0 =	simm.s32 @!p0 $0x5  }
0x92: {  	_ =	swait.ge @!p0 [sflag:s0], s1  }
0x93: {  	s1 =	ssub.s32 @!p0 $0x0, s1;
	[sflag:s0] =	ssyncset.done @!p0 $0x0  }
0x94: {  	[sflag:s0] =	ssyncadd.s32 @!p0 s1  }
0x95: {  	[bflag:$0x3] =	sbarrier.arrive $0xFFFF  }
0x96: {  	_ =	shalt  }

</sc_bundles>
